<compile_context>
chip_gen: v7x
topology: tpu7x:2x2x1
jax: 0.10.2.dev20260603
libtpu: 0.0.44.dev20260713+nightly
codegen_flags: <defaults>
</compile_context>

<pallas_src>
import functools

import jax
import jax.numpy as jnp
from jax import lax
from jax.experimental import pallas as pl
from jax.experimental.pallas import tpu as pltpu
from jax.experimental.pallas import tpu_sc as plsc

N = 10000
E = 320000
D = 128

NP = 10240
NC = 2
NS = 16
NW = NC * NS
SLAB = NP // NS
CHUNK = 128
EPW = 10240
NCH = EPW // CHUNK
EP = NW * EPW

_mesh = plsc.VectorSubcoreMesh(core_axis_name="c", subcore_axis_name="s")


@functools.partial(
    pl.kernel,
    out_type=[
        jax.ShapeDtypeStruct((NC * NP, D), jnp.float32),
        jax.ShapeDtypeStruct((NC * NP,), jnp.float32),
    ],
    mesh=_mesh,
    scratch_types=[
        pltpu.VMEM((CHUNK,), jnp.int32),
        pltpu.VMEM((CHUNK,), jnp.int32),
        pltpu.VMEM((NCH, CHUNK), jnp.int32),
        pltpu.VMEM((CHUNK, D), jnp.float32),
        pltpu.VMEM((CHUNK, D), jnp.float32),
        pltpu.VMEM((CHUNK,), jnp.float32),
        pltpu.VMEM_SHARED((NP, D), jnp.float32),
        pltpu.VMEM_SHARED((NP,), jnp.float32),
        pltpu.SemaphoreType.DMA,
        pltpu.SemaphoreType.DMA,
        pltpu.SemaphoreType.DMA,
        pltpu.SemaphoreType.DMA,
        pltpu.SemaphoreType.DMA,
        pltpu.SemaphoreType.DMA,
    ],
)
def _sc_agg_rows(src_hbm, dst_hbm, x_hbm, z2_hbm, z1_hbm,
                 agg_out, deg_out, srcb0, srcb1, dstv, rows0, rows1, ones,
                 acc_a, acc_d, sem0, sem1, semS0, semS1, semD0, semD1):
    cid = lax.axis_index("c")
    sid = lax.axis_index("s")
    wid = cid * NS + sid

    pltpu.sync_copy(z2_hbm, acc_a.at[pl.ds(sid * SLAB, SLAB)])
    pltpu.sync_copy(z1_hbm.at[pl.ds(0, SLAB)], acc_d.at[pl.ds(sid * SLAB, SLAB)])
    pltpu.sync_copy(dst_hbm.at[wid], dstv)
    for g in range(CHUNK // 16):
        ones[pl.ds(g * 16, 16)] = jnp.ones((16,), jnp.float32)
    plsc.subcore_barrier()

    H = CHUNK // 2

    def _gather(srcb, rows):
        pltpu.async_copy(x_hbm.at[srcb.at[pl.ds(0, H)]], rows.at[pl.ds(0, H)], sem0)
        pltpu.async_copy(x_hbm.at[srcb.at[pl.ds(H, H)]], rows.at[pl.ds(H, H)], sem1)

    def _gwait(srcb, rows):
        pltpu.make_async_copy(x_hbm.at[srcb.at[pl.ds(0, H)]], rows.at[pl.ds(0, H)], sem0).wait()
        pltpu.make_async_copy(x_hbm.at[srcb.at[pl.ds(H, H)]], rows.at[pl.ds(H, H)], sem1).wait()

    pltpu.sync_copy(src_hbm.at[wid, pl.ds(0, CHUNK)], srcb0)
    _gather(srcb0, rows0)
    pltpu.sync_copy(src_hbm.at[wid, pl.ds(CHUNK, CHUNK)], srcb1)

    def body(t, carry):
        j = 2 * t
        _gwait(srcb0, rows0)
        pltpu.async_copy(rows0, acc_a.at[dstv.at[j]], semS0, add=True)
        pltpu.async_copy(ones, acc_d.at[dstv.at[j]], semD0, add=True)

        @pl.when(t > 0)
        def _():
            pltpu.make_async_copy(rows1, acc_a.at[dstv.at[j]], semS1).wait()
            pltpu.make_async_copy(ones, acc_d.at[dstv.at[j]], semD1).wait()

        _gather(srcb1, rows1)

        @pl.when(j + 2 < NCH)
        def _():
            pltpu.sync_copy(src_hbm.at[wid, pl.ds((j + 2) * CHUNK, CHUNK)], srcb0)

        _gwait(srcb1, rows1)
        pltpu.async_copy(rows1, acc_a.at[dstv.at[j + 1]], semS1, add=True)
        pltpu.async_copy(ones, acc_d.at[dstv.at[j + 1]], semD1, add=True)

        pltpu.make_async_copy(rows0, acc_a.at[dstv.at[j]], semS0).wait()
        pltpu.make_async_copy(ones, acc_d.at[dstv.at[j]], semD0).wait()

        @pl.when(j + 2 < NCH)
        def _():
            _gather(srcb0, rows0)

        @pl.when(j + 3 < NCH)
        def _():
            pltpu.sync_copy(src_hbm.at[wid, pl.ds((j + 3) * CHUNK, CHUNK)], srcb1)

        return carry

    lax.fori_loop(0, NCH // 2, body, 0)
    pltpu.make_async_copy(rows1, acc_a.at[dstv.at[NCH - 1]], semS1).wait()
    pltpu.make_async_copy(ones, acc_d.at[dstv.at[NCH - 1]], semD1).wait()
    plsc.subcore_barrier()

    base = cid * NP + sid * SLAB
    pltpu.sync_copy(acc_a.at[pl.ds(sid * SLAB, SLAB)], agg_out.at[pl.ds(base, SLAB)])
    pltpu.sync_copy(acc_d.at[pl.ds(sid * SLAB, SLAB)], deg_out.at[pl.ds(base, SLAB)])


@functools.partial(
    pl.kernel,
    out_type=jax.ShapeDtypeStruct((NC * NP,), jnp.float32),
    mesh=_mesh,
    scratch_types=[
        pltpu.VMEM((NCH, CHUNK), jnp.int32),
        pltpu.VMEM((NCH, CHUNK), jnp.int32),
        pltpu.VMEM((CHUNK,), jnp.float32),
        pltpu.VMEM((CHUNK,), jnp.float32),
        pltpu.VMEM_SHARED((NP,), jnp.float32),
        pltpu.VMEM_SHARED((NP,), jnp.float32),
        pltpu.SemaphoreType.DMA,
        pltpu.SemaphoreType.DMA,
        pltpu.SemaphoreType.DMA,
        pltpu.SemaphoreType.DMA,
    ],
)
def _sc_agg_scalar(src_hbm, dst_hbm, p_hbm, z1_hbm,
                   aggp_out, srcv, dstv, vals0, vals1, p_sh, acc_p,
                   sem0, sem1, semS0, semS1):
    cid = lax.axis_index("c")
    sid = lax.axis_index("s")
    wid = cid * NS + sid

    pltpu.sync_copy(z1_hbm.at[pl.ds(0, SLAB)], acc_p.at[pl.ds(sid * SLAB, SLAB)])
    pltpu.sync_copy(p_hbm.at[pl.ds(sid * SLAB, SLAB)], p_sh.at[pl.ds(sid * SLAB, SLAB)])
    pltpu.sync_copy(src_hbm.at[wid], srcv)
    pltpu.sync_copy(dst_hbm.at[wid], dstv)
    plsc.subcore_barrier()

    pltpu.async_copy(p_sh.at[srcv.at[0]], vals0, sem0)

    def body(t, carry):
        j = 2 * t
        pltpu.make_async_copy(p_sh.at[srcv.at[j]], vals0, sem0).wait()
        pltpu.async_copy(vals0, acc_p.at[dstv.at[j]], semS0, add=True)

        @pl.when(t > 0)
        def _():
            pltpu.make_async_copy(vals1, acc_p.at[dstv.at[j]], semS1).wait()

        pltpu.async_copy(p_sh.at[srcv.at[j + 1]], vals1, sem1)
        pltpu.make_async_copy(p_sh.at[srcv.at[j + 1]], vals1, sem1).wait()
        pltpu.async_copy(vals1, acc_p.at[dstv.at[j + 1]], semS1, add=True)
        pltpu.make_async_copy(vals0, acc_p.at[dstv.at[j]], semS0).wait()

        @pl.when(j + 2 < NCH)
        def _():
            pltpu.async_copy(p_sh.at[srcv.at[j + 2]], vals0, sem0)

        return carry

    lax.fori_loop(0, NCH // 2, body, 0)
    pltpu.make_async_copy(vals1, acc_p.at[dstv.at[NCH - 1]], semS1).wait()
    plsc.subcore_barrier()

    base = cid * NP + sid * SLAB
    pltpu.sync_copy(acc_p.at[pl.ds(sid * SLAB, SLAB)], aggp_out.at[pl.ds(base, SLAB)])


BR = 640


def _tc_layer1_body(a0, a1, d0, d1, x, wl1, wr1, b1, wl2, wr2,
                    p_ref, q_ref, degc_ref):
    degc = jnp.maximum(d0[...] + d1[...], 1.0)
    mean = (a0[...] + a1[...]) / degc
    h = jnp.maximum(
        jnp.dot(mean, wl1[...], preferred_element_type=jnp.float32)
        + jnp.dot(x[...], wr1[...], preferred_element_type=jnp.float32)
        + b1[...],
        0.0,
    )
    p_ref[...] = jnp.sum(h * wl2[...], axis=1, keepdims=True)
    q_ref[...] = jnp.sum(h * wr2[...], axis=1, keepdims=True)
    degc_ref[...] = degc


_tc_layer1 = pl.pallas_call(
    _tc_layer1_body,
    grid=(NP // BR,),
    in_specs=[
        pl.BlockSpec((BR, D), lambda i: (i, 0)),
        pl.BlockSpec((BR, D), lambda i: (i + 16, 0)),
        pl.BlockSpec((BR, 1), lambda i: (i, 0)),
        pl.BlockSpec((BR, 1), lambda i: (i + 16, 0)),
        pl.BlockSpec((BR, D), lambda i: (i, 0)),
        pl.BlockSpec((D, D), lambda i: (0, 0)),
        pl.BlockSpec((D, D), lambda i: (0, 0)),
        pl.BlockSpec((1, D), lambda i: (0, 0)),
        pl.BlockSpec((1, D), lambda i: (0, 0)),
        pl.BlockSpec((1, D), lambda i: (0, 0)),
    ],
    out_specs=[
        pl.BlockSpec((BR, 1), lambda i: (i, 0)),
        pl.BlockSpec((BR, 1), lambda i: (i, 0)),
        pl.BlockSpec((BR, 1), lambda i: (i, 0)),
    ],
    out_shape=[
        jax.ShapeDtypeStruct((NP, 1), jnp.float32),
        jax.ShapeDtypeStruct((NP, 1), jnp.float32),
        jax.ShapeDtypeStruct((NP, 1), jnp.float32),
    ],
)


def _tc_final_body(ap0, ap1, degc, q, b2, out_ref):
    out_ref[...] = (ap0[...] + ap1[...]) / degc[...] + q[...] + b2[...]


_tc_final = pl.pallas_call(
    _tc_final_body,
    grid=(NP // BR,),
    in_specs=[
        pl.BlockSpec((BR, 1), lambda i: (i, 0)),
        pl.BlockSpec((BR, 1), lambda i: (i + 16, 0)),
        pl.BlockSpec((BR, 1), lambda i: (i, 0)),
        pl.BlockSpec((BR, 1), lambda i: (i, 0)),
        pl.BlockSpec((1, 1), lambda i: (0, 0)),
    ],
    out_specs=pl.BlockSpec((BR, 1), lambda i: (i, 0)),
    out_shape=jax.ShapeDtypeStruct((N, 1), jnp.float32),
)


def kernel(x, edge_index, Wl1, Wr1, b1, Wl2, Wr2, b2):
    src = edge_index[0]
    dst = edge_index[1]
    npad = EP - E
    ar = jnp.arange(npad, dtype=jnp.int32)
    pad_src = (ar % jnp.int32(256)).astype(jnp.int32)
    pad_dst = (N + (ar % (NP - N))).astype(jnp.int32)
    srcp = jnp.concatenate([src, pad_src]).reshape(NW, NCH, CHUNK)
    dstp = jnp.concatenate([dst, pad_dst]).reshape(NW, NCH, CHUNK)
    z2 = jnp.zeros((SLAB, D), jnp.float32)
    z1 = jnp.zeros((NP,), jnp.float32)

    agg, deg = _sc_agg_rows(srcp.reshape(NW, EPW), dstp, x, z2, z1)
    deg2 = deg[:, None]
    p, q, degc = _tc_layer1(
        agg, agg, deg2, deg2, x, Wl1, Wr1, b1[None, :], Wl2.T, Wr2.T,
    )
    aggp = _sc_agg_scalar(srcp, dstp, p.reshape(NP), z1)
    aggp2 = aggp[:, None]
    return _tc_final(aggp2, aggp2, degc, q, b2[None, :])

# --- scband reference (transcript-rebuilt; emitter-appended) ---
"""Pipeline reference for scband-net-76441827934432 (READ-ONLY COPY).

The authoritative reference and input builder live on the scoring server;
editing this copy changes nothing except your own understanding.
"""

import jax, jax.numpy as jnp
import numpy as np

N = 10000
E = 320000
D_IN = 128
D_HID = 128


def setup_inputs(seed: int = 0) -> dict:
    key = jax.random.key(seed)
    ks = jax.random.split(key, 8)
    x = jax.random.normal(ks[0], (N, D_IN), dtype=jnp.float32)
    edge_index = jax.random.randint(ks[1], (2, E), 0, N, dtype=jnp.int32)
    s1 = 1.0 / np.sqrt(D_IN)
    s2 = 1.0 / np.sqrt(D_HID)
    Wl1 = jax.random.uniform(ks[2], (D_IN, D_HID), jnp.float32, -s1, s1)
    Wr1 = jax.random.uniform(ks[3], (D_IN, D_HID), jnp.float32, -s1, s1)
    b1 = jnp.zeros((D_HID,), jnp.float32)
    Wl2 = jax.random.uniform(ks[4], (D_HID, 1), jnp.float32, -s2, s2)
    Wr2 = jax.random.uniform(ks[5], (D_HID, 1), jnp.float32, -s2, s2)
    b2 = jnp.zeros((1,), jnp.float32)
    return {"x": x, "edge_index": edge_index, "Wl1": Wl1, "Wr1": Wr1, "b1": b1, "Wl2": Wl2, "Wr2": Wr2, "b2": b2}


def _sage_layer(x, src, dst, Wl, Wr, b):
    # PyG SAGEConv (mean aggregator): out = lin_l(mean_{j in N(i)} x_j) + lin_r(x_i)
    msgs = jnp.take(x, src, axis=0)
    agg = jax.ops.segment_sum(msgs, dst, num_segments=N)
    cnt = jax.ops.segment_sum(jnp.ones((src.shape[0],), jnp.float32), dst, num_segments=N)
    mean = agg / jnp.clip(cnt, 1.0)[:, None]
    return mean @ Wl + x @ Wr + b


def reference(x, edge_index, Wl1, Wr1, b1, Wl2, Wr2, b2):
    src = edge_index[0]
    dst = edge_index[1]
    # layer 1 + relu (dropout inactive in eval mode)
    h = jax.nn.relu(_sage_layer(x, src, dst, Wl1, Wr1, b1))
    # final layer -> scalar per node
    out = _sage_layer(h, src, dst, Wl2, Wr2, b2)
    return out

if __name__ == "__main__":
    import jax
    _d = setup_inputs()
    print(jax.jit(kernel)(*tuple(_d.values())))

</pallas_src>

<mosaic_0001>
#map = affine_map<(d0, d1) -> (0, 0, 0)>
#map1 = affine_map<(d0, d1) -> (0)>
module attributes {stable_mosaic.version = 14 : i64} {
  func.func @_sc_agg_scalar(%arg0: i32, %arg1: i32, %arg2: memref<32x80x128xi32, #tpu.memory_space<hbm>>, %arg3: memref<32x80x128xi32, #tpu.memory_space<hbm>>, %arg4: memref<10240xf32, #tpu.memory_space<hbm>>, %arg5: memref<10240xf32, #tpu.memory_space<hbm>>, %arg6: memref<20480xf32, #tpu.memory_space<hbm>>, %arg7: memref<80x128xi32, #tpu.memory_space<vmem>>, %arg8: memref<80x128xi32, #tpu.memory_space<vmem>>, %arg9: memref<128xf32, #tpu.memory_space<vmem>>, %arg10: memref<128xf32, #tpu.memory_space<vmem>>, %arg11: memref<10240xf32, #tpu.memory_space<vmem_shared>>, %arg12: memref<10240xf32, #tpu.memory_space<vmem_shared>>, %arg13: memref<!tpu.dma_semaphore, #tpu.memory_space<semaphore_mem>>, %arg14: memref<!tpu.dma_semaphore, #tpu.memory_space<semaphore_mem>>, %arg15: memref<!tpu.dma_semaphore, #tpu.memory_space<semaphore_mem>>, %arg16: memref<!tpu.dma_semaphore, #tpu.memory_space<semaphore_mem>>) attributes {dimension_semantics = [#tpu.dimension_semantics<core_parallel>, #tpu.dimension_semantics<subcore_parallel>], iteration_bounds = array<i64: 2, 16>, scalar_prefetch = 0 : i64, scratch_operands = 10 : i64, tpu.core_type = #tpu.core_type<sc_vector_subcore>, window_params = [{transform_indices = #map}, {transform_indices = #map}, {transform_indices = #map1}, {transform_indices = #map1}, {transform_indices = #map1}]} {
    %mul3A = arith.constant 16 : i32
    %mul3A_0 = arith.muli %arg0, %mul3A : i32
    %add3A = arith.addi %mul3A_0, %arg1 : i32
    %mul3A_1 = arith.constant 640 : i32
    %mul3A_2 = arith.muli %arg1, %mul3A_1 : i32
    "tpu.region"() ({
      %run_scoped3A = tpu.sem_alloc : memref<!tpu.dma_semaphore, #tpu.memory_space<semaphore_mem>>
      %dma_start3A_30 = tpu.memref_slice %arg12[%mul3A_2] : memref<10240xf32, #tpu.memory_space<vmem_shared>> -> memref<640xf32, #tpu.memory_space<vmem_shared>>
      %dma_start3A_31 = arith.constant 0 : i32
      %dma_start3A_32 = tpu.memref_slice %arg5[%dma_start3A_31] : memref<10240xf32, #tpu.memory_space<hbm>> -> memref<640xf32, #tpu.memory_space<hbm>>
      tpu.enqueue_dma source(%dma_start3A_32 : memref<640xf32, #tpu.memory_space<hbm>>) target(%dma_start3A_30 : memref<640xf32, #tpu.memory_space<vmem_shared>>) target_semaphore(%run_scoped3A : memref<!tpu.dma_semaphore, #tpu.memory_space<semaphore_mem>>)
      %dma_wait3A_33 = tpu.memref_slice %arg12[%mul3A_2] : memref<10240xf32, #tpu.memory_space<vmem_shared>> -> memref<640xf32, #tpu.memory_space<vmem_shared>>
      %dma_wait3A_34 = arith.constant 0 : i32
      %dma_wait3A_35 = tpu.memref_slice %arg5[%dma_wait3A_34] : memref<10240xf32, #tpu.memory_space<hbm>> -> memref<640xf32, #tpu.memory_space<hbm>>
      tpu.wait_dma2 semaphore(%run_scoped3A : memref<!tpu.dma_semaphore, #tpu.memory_space<semaphore_mem>>) src(%dma_wait3A_35 : memref<640xf32, #tpu.memory_space<hbm>>) dst(%dma_wait3A_33 : memref<640xf32, #tpu.memory_space<vmem_shared>>)
      tpu.yield
    }) : () -> ()
    %mul3A_3 = arith.constant 640 : i32
    %mul3A_4 = arith.muli %arg1, %mul3A_3 : i32
    %mul3A_5 = arith.constant 640 : i32
    %mul3A_6 = arith.muli %arg1, %mul3A_5 : i32
    "tpu.region"() ({
      %run_scoped3A = tpu.sem_alloc : memref<!tpu.dma_semaphore, #tpu.memory_space<semaphore_mem>>
      %dma_start3A_30 = tpu.memref_slice %arg11[%mul3A_6] : memref<10240xf32, #tpu.memory_space<vmem_shared>> -> memref<640xf32, #tpu.memory_space<vmem_shared>>
      %dma_start3A_31 = tpu.memref_slice %arg4[%mul3A_4] : memref<10240xf32, #tpu.memory_space<hbm>> -> memref<640xf32, #tpu.memory_space<hbm>>
      tpu.enqueue_dma source(%dma_start3A_31 : memref<640xf32, #tpu.memory_space<hbm>>) target(%dma_start3A_30 : memref<640xf32, #tpu.memory_space<vmem_shared>>) target_semaphore(%run_scoped3A : memref<!tpu.dma_semaphore, #tpu.memory_space<semaphore_mem>>)
      %dma_wait3A_32 = tpu.memref_slice %arg11[%mul3A_6] : memref<10240xf32, #tpu.memory_space<vmem_shared>> -> memref<640xf32, #tpu.memory_space<vmem_shared>>
      %dma_wait3A_33 = tpu.memref_slice %arg4[%mul3A_4] : memref<10240xf32, #tpu.memory_space<hbm>> -> memref<640xf32, #tpu.memory_space<hbm>>
      tpu.wait_dma2 semaphore(%run_scoped3A : memref<!tpu.dma_semaphore, #tpu.memory_space<semaphore_mem>>) src(%dma_wait3A_33 : memref<640xf32, #tpu.memory_space<hbm>>) dst(%dma_wait3A_32 : memref<640xf32, #tpu.memory_space<vmem_shared>>)
      tpu.yield
    }) : () -> ()
    "tpu.region"() ({
      %run_scoped3A = tpu.sem_alloc : memref<!tpu.dma_semaphore, #tpu.memory_space<semaphore_mem>>
      %dma_start3A_30 = arith.constant 0 : i32
      %dma_start3A_31 = arith.constant 0 : i32
      %dma_start3A_32 = tpu.memref_slice %arg2[%add3A, %dma_start3A_30, %dma_start3A_31] : memref<32x80x128xi32, #tpu.memory_space<hbm>> -> memref<1x80x128xi32, #tpu.memory_space<hbm>>
      %dma_start3A_33 = tpu.memref_squeeze %dma_start3A_32 : memref<1x80x128xi32, #tpu.memory_space<hbm>> -> memref<80x128xi32, #tpu.memory_space<hbm>>
      %dma_start3A_34 = arith.constant 0 : i32
      %dma_start3A_35 = arith.constant 0 : i32
      %dma_start3A_36 = tpu.memref_slice %arg2[%add3A, %dma_start3A_34, %dma_start3A_35] : memref<32x80x128xi32, #tpu.memory_space<hbm>> -> memref<1x80x128xi32, #tpu.memory_space<hbm>>
      %dma_start3A_37 = tpu.memref_squeeze %dma_start3A_36 : memref<1x80x128xi32, #tpu.memory_space<hbm>> -> memref<80x128xi32, #tpu.memory_space<hbm>>
      tpu.enqueue_dma source(%dma_start3A_37 : memref<80x128xi32, #tpu.memory_space<hbm>>) target(%arg7 : memref<80x128xi32, #tpu.memory_space<vmem>>) target_semaphore(%run_scoped3A : memref<!tpu.dma_semaphore, #tpu.memory_space<semaphore_mem>>)
      %dma_wait3A_38 = arith.constant 0 : i32
      %dma_wait3A_39 = arith.constant 0 : i32
      %dma_wait3A_40 = tpu.memref_slice %arg2[%add3A, %dma_wait3A_38, %dma_wait3A_39] : memref<32x80x128xi32, #tpu.memory_space<hbm>> -> memref<1x80x128xi32, #tpu.memory_space<hbm>>
      %dma_wait3A_41 = tpu.memref_squeeze %dma_wait3A_40 : memref<1x80x128xi32, #tpu.memory_space<hbm>> -> memref<80x128xi32, #tpu.memory_space<hbm>>
      %dma_wait3A_42 = arith.constant 0 : i32
      %dma_wait3A_43 = arith.constant 0 : i32
      %dma_wait3A_44 = tpu.memref_slice %arg2[%add3A, %dma_wait3A_42, %dma_wait3A_43] : memref<32x80x128xi32, #tpu.memory_space<hbm>> -> memref<1x80x128xi32, #tpu.memory_space<hbm>>
      %dma_wait3A_45 = tpu.memref_squeeze %dma_wait3A_44 : memref<1x80x128xi32, #tpu.memory_space<hbm>> -> memref<80x128xi32, #tpu.memory_space<hbm>>
      tpu.wait_dma2 semaphore(%run_scoped3A : memref<!tpu.dma_semaphore, #tpu.memory_space<semaphore_mem>>) src(%dma_wait3A_45 : memref<80x128xi32, #tpu.memory_space<hbm>>) dst(%arg7 : memref<80x128xi32, #tpu.memory_space<vmem>>)
      tpu.yield
    }) : () -> ()
    "tpu.region"() ({
      %run_scoped3A = tpu.sem_alloc : memref<!tpu.dma_semaphore, #tpu.memory_space<semaphore_mem>>
      %dma_start3A_30 = arith.constant 0 : i32
      %dma_start3A_31 = arith.constant 0 : i32
      %dma_start3A_32 = tpu.memref_slice %arg3[%add3A, %dma_start3A_30, %dma_start3A_31] : memref<32x80x128xi32, #tpu.memory_space<hbm>> -> memref<1x80x128xi32, #tpu.memory_space<hbm>>
      %dma_start3A_33 = tpu.memref_squeeze %dma_start3A_32 : memref<1x80x128xi32, #tpu.memory_space<hbm>> -> memref<80x128xi32, #tpu.memory_space<hbm>>
      %dma_start3A_34 = arith.constant 0 : i32
      %dma_start3A_35 = arith.constant 0 : i32
      %dma_start3A_36 = tpu.memref_slice %arg3[%add3A, %dma_start3A_34, %dma_start3A_35] : memref<32x80x128xi32, #tpu.memory_space<hbm>> -> memref<1x80x128xi32, #tpu.memory_space<hbm>>
      %dma_start3A_37 = tpu.memref_squeeze %dma_start3A_36 : memref<1x80x128xi32, #tpu.memory_space<hbm>> -> memref<80x128xi32, #tpu.memory_space<hbm>>
      tpu.enqueue_dma source(%dma_start3A_37 : memref<80x128xi32, #tpu.memory_space<hbm>>) target(%arg8 : memref<80x128xi32, #tpu.memory_space<vmem>>) target_semaphore(%run_scoped3A : memref<!tpu.dma_semaphore, #tpu.memory_space<semaphore_mem>>)
      %dma_wait3A_38 = arith.constant 0 : i32
      %dma_wait3A_39 = arith.constant 0 : i32
      %dma_wait3A_40 = tpu.memref_slice %arg3[%add3A, %dma_wait3A_38, %dma_wait3A_39] : memref<32x80x128xi32, #tpu.memory_space<hbm>> -> memref<1x80x128xi32, #tpu.memory_space<hbm>>
      %dma_wait3A_41 = tpu.memref_squeeze %dma_wait3A_40 : memref<1x80x128xi32, #tpu.memory_space<hbm>> -> memref<80x128xi32, #tpu.memory_space<hbm>>
      %dma_wait3A_42 = arith.constant 0 : i32
      %dma_wait3A_43 = arith.constant 0 : i32
      %dma_wait3A_44 = tpu.memref_slice %arg3[%add3A, %dma_wait3A_42, %dma_wait3A_43] : memref<32x80x128xi32, #tpu.memory_space<hbm>> -> memref<1x80x128xi32, #tpu.memory_space<hbm>>
      %dma_wait3A_45 = tpu.memref_squeeze %dma_wait3A_44 : memref<1x80x128xi32, #tpu.memory_space<hbm>> -> memref<80x128xi32, #tpu.memory_space<hbm>>
      tpu.wait_dma2 semaphore(%run_scoped3A : memref<!tpu.dma_semaphore, #tpu.memory_space<semaphore_mem>>) src(%dma_wait3A_45 : memref<80x128xi32, #tpu.memory_space<hbm>>) dst(%arg8 : memref<80x128xi32, #tpu.memory_space<vmem>>)
      tpu.yield
    }) : () -> ()
    %barrier3A = arith.constant 0 : index
    tpu.barrier barrier_id(%barrier3A)
    %dma_start3A = arith.constant 0 : i32
    %dma_start3A_7 = arith.constant 0 : i32
    %dma_start3A_8 = tpu.memref_slice %arg7[%dma_start3A, %dma_start3A_7] : memref<80x128xi32, #tpu.memory_space<vmem>> -> memref<1x128xi32, #tpu.memory_space<vmem>>
    %dma_start3A_9 = tpu.memref_squeeze %dma_start3A_8 : memref<1x128xi32, #tpu.memory_space<vmem>> -> memref<128xi32, #tpu.memory_space<vmem>>
    %dma_start3A_10 = arith.constant 0 : i32
    %dma_start3A_11 = tpu.memref_slice %arg11[%dma_start3A_10] : memref<10240xf32, #tpu.memory_space<vmem_shared>> -> memref<10240xf32, #tpu.memory_space<vmem_shared>>
    tpu.enqueue_indirect_dma source(%dma_start3A_11 : memref<10240xf32, #tpu.memory_space<vmem_shared>>) target(%arg9 : memref<128xf32, #tpu.memory_space<vmem>>) offsets(%dma_start3A_9 : memref<128xi32, #tpu.memory_space<vmem>>) semaphore(%arg13 : memref<!tpu.dma_semaphore, #tpu.memory_space<semaphore_mem>>)
    %scan3A = arith.constant 0 : i32
    %scan3A_12 = arith.constant 0 : i32
    %scan3A_13 = arith.constant 40 : i32
    %scan3A_14 = arith.addi %scan3A_12, %scan3A_13 : i32
    %scan3A_15 = arith.constant 1 : i32
    scf.for %scan3A_30 = %scan3A_12 to %scan3A_14 step %scan3A_15  : i32 {
      %mul3A_31 = arith.constant 2 : i32
      %mul3A_32 = arith.muli %mul3A_31, %scan3A_30 : i32
      %dma_wait3A_33 = arith.constant 0 : i32
      %dma_wait3A_34 = tpu.memref_slice %arg7[%mul3A_32, %dma_wait3A_33] : memref<80x128xi32, #tpu.memory_space<vmem>> -> memref<1x128xi32, #tpu.memory_space<vmem>>
      %dma_wait3A_35 = tpu.memref_squeeze %dma_wait3A_34 : memref<1x128xi32, #tpu.memory_space<vmem>> -> memref<128xi32, #tpu.memory_space<vmem>>
      %dma_wait3A_36 = arith.constant 0 : i32
      %dma_wait3A_37 = tpu.memref_slice %arg11[%dma_wait3A_36] : memref<10240xf32, #tpu.memory_space<vmem_shared>> -> memref<10240xf32, #tpu.memory_space<vmem_shared>>
      tpu.wait_indirect_dma semaphore(%arg13 : memref<!tpu.dma_semaphore, #tpu.memory_space<semaphore_mem>>) src(%dma_wait3A_37 : memref<10240xf32, #tpu.memory_space<vmem_shared>>) dst(%arg9 : memref<128xf32, #tpu.memory_space<vmem>>)
      %dma_start3A_38 = arith.constant 0 : i32
      %dma_start3A_39 = tpu.memref_slice %arg8[%mul3A_32, %dma_start3A_38] : memref<80x128xi32, #tpu.memory_space<vmem>> -> memref<1x128xi32, #tpu.memory_space<vmem>>
      %dma_start3A_40 = tpu.memref_squeeze %dma_start3A_39 : memref<1x128xi32, #tpu.memory_space<vmem>> -> memref<128xi32, #tpu.memory_space<vmem>>
      %dma_start3A_41 = arith.constant 0 : i32
      %dma_start3A_42 = tpu.memref_slice %arg12[%dma_start3A_41] : memref<10240xf32, #tpu.memory_space<vmem_shared>> -> memref<10240xf32, #tpu.memory_space<vmem_shared>>
      tpu.enqueue_indirect_dma source(%arg9 : memref<128xf32, #tpu.memory_space<vmem>>) target(%dma_start3A_42 : memref<10240xf32, #tpu.memory_space<vmem_shared>>) offsets(%dma_start3A_40 : memref<128xi32, #tpu.memory_space<vmem>>) semaphore(%arg15 : memref<!tpu.dma_semaphore, #tpu.memory_space<semaphore_mem>>) {add = true}
      %gt3A = arith.constant 0 : i32
      %gt3A_43 = arith.cmpi sgt, %scan3A_30, %gt3A : i32
      %convert_element_type3A = arith.extui %gt3A_43 : i1 to i32
      %cond3A = arith.constant 0 : i32
      %cond3A_44 = arith.cmpi ne, %convert_element_type3A, %cond3A : i32
      scf.if %cond3A_44 {
        %dma_wait3A_77 = arith.constant 0 : i32
        %dma_wait3A_78 = tpu.memref_slice %arg8[%mul3A_32, %dma_wait3A_77] : memref<80x128xi32, #tpu.memory_space<vmem>> -> memref<1x128xi32, #tpu.memory_space<vmem>>
        %dma_wait3A_79 = tpu.memref_squeeze %dma_wait3A_78 : memref<1x128xi32, #tpu.memory_space<vmem>> -> memref<128xi32, #tpu.memory_space<vmem>>
        %dma_wait3A_80 = arith.constant 0 : i32
        %dma_wait3A_81 = tpu.memref_slice %arg12[%dma_wait3A_80] : memref<10240xf32, #tpu.memory_space<vmem_shared>> -> memref<10240xf32, #tpu.memory_space<vmem_shared>>
        tpu.wait_indirect_dma semaphore(%arg16 : memref<!tpu.dma_semaphore, #tpu.memory_space<semaphore_mem>>) src(%arg10 : memref<128xf32, #tpu.memory_space<vmem>>) dst(%dma_wait3A_81 : memref<10240xf32, #tpu.memory_space<vmem_shared>>)
      } else {
      }
      %add3A_45 = arith.constant 1 : i32
      %add3A_46 = arith.addi %mul3A_32, %add3A_45 : i32
      %dma_start3A_47 = arith.constant 0 : i32
      %dma_start3A_48 = tpu.memref_slice %arg7[%add3A_46, %dma_start3A_47] : memref<80x128xi32, #tpu.memory_space<vmem>> -> memref<1x128xi32, #tpu.memory_space<vmem>>
      %dma_start3A_49 = tpu.memref_squeeze %dma_start3A_48 : memref<1x128xi32, #tpu.memory_space<vmem>> -> memref<128xi32, #tpu.memory_space<vmem>>
      %dma_start3A_50 = arith.constant 0 : i32
      %dma_start3A_51 = tpu.memref_slice %arg11[%dma_start3A_50] : memref<10240xf32, #tpu.memory_space<vmem_shared>> -> memref<10240xf32, #tpu.memory_space<vmem_shared>>
      tpu.enqueue_indirect_dma source(%dma_start3A_51 : memref<10240xf32, #tpu.memory_space<vmem_shared>>) target(%arg10 : memref<128xf32, #tpu.memory_space<vmem>>) offsets(%dma_start3A_49 : memref<128xi32, #tpu.memory_space<vmem>>) semaphore(%arg14 : memref<!tpu.dma_semaphore, #tpu.memory_space<semaphore_mem>>)
      %add3A_52 = arith.constant 1 : i32
      %add3A_53 = arith.addi %mul3A_32, %add3A_52 : i32
      %dma_wait3A_54 = arith.constant 0 : i32
      %dma_wait3A_55 = tpu.memref_slice %arg7[%add3A_53, %dma_wait3A_54] : memref<80x128xi32, #tpu.memory_space<vmem>> -> memref<1x128xi32, #tpu.memory_space<vmem>>
      %dma_wait3A_56 = tpu.memref_squeeze %dma_wait3A_55 : memref<1x128xi32, #tpu.memory_space<vmem>> -> memref<128xi32, #tpu.memory_space<vmem>>
      %dma_wait3A_57 = arith.constant 0 : i32
      %dma_wait3A_58 = tpu.memref_slice %arg11[%dma_wait3A_57] : memref<10240xf32, #tpu.memory_space<vmem_shared>> -> memref<10240xf32, #tpu.memory_space<vmem_shared>>
      tpu.wait_indirect_dma semaphore(%arg14 : memref<!tpu.dma_semaphore, #tpu.memory_space<semaphore_mem>>) src(%dma_wait3A_58 : memref<10240xf32, #tpu.memory_space<vmem_shared>>) dst(%arg10 : memref<128xf32, #tpu.memory_space<vmem>>)
      %add3A_59 = arith.constant 1 : i32
      %add3A_60 = arith.addi %mul3A_32, %add3A_59 : i32
      %dma_start3A_61 = arith.constant 0 : i32
      %dma_start3A_62 = tpu.memref_slice %arg8[%add3A_60, %dma_start3A_61] : memref<80x128xi32, #tpu.memory_space<vmem>> -> memref<1x128xi32, #tpu.memory_space<vmem>>
      %dma_start3A_63 = tpu.memref_squeeze %dma_start3A_62 : memref<1x128xi32, #tpu.memory_space<vmem>> -> memref<128xi32, #tpu.memory_space<vmem>>
      %dma_start3A_64 = arith.constant 0 : i32
      %dma_start3A_65 = tpu.memref_slice %arg12[%dma_start3A_64] : memref<10240xf32, #tpu.memory_space<vmem_shared>> -> memref<10240xf32, #tpu.memory_space<vmem_shared>>
      tpu.enqueue_indirect_dma source(%arg10 : memref<128xf32, #tpu.memory_space<vmem>>) target(%dma_start3A_65 : memref<10240xf32, #tpu.memory_space<vmem_shared>>) offsets(%dma_start3A_63 : memref<128xi32, #tpu.memory_space<vmem>>) semaphore(%arg16 : memref<!tpu.dma_semaphore, #tpu.memory_space<semaphore_mem>>) {add = true}
      %dma_wait3A_66 = arith.constant 0 : i32
      %dma_wait3A_67 = tpu.memref_slice %arg8[%mul3A_32, %dma_wait3A_66] : memref<80x128xi32, #tpu.memory_space<vmem>> -> memref<1x128xi32, #tpu.memory_space<vmem>>
      %dma_wait3A_68 = tpu.memref_squeeze %dma_wait3A_67 : memref<1x128xi32, #tpu.memory_space<vmem>> -> memref<128xi32, #tpu.memory_space<vmem>>
      %dma_wait3A_69 = arith.constant 0 : i32
      %dma_wait3A_70 = tpu.memref_slice %arg12[%dma_wait3A_69] : memref<10240xf32, #tpu.memory_space<vmem_shared>> -> memref<10240xf32, #tpu.memory_space<vmem_shared>>
      tpu.wait_indirect_dma semaphore(%arg15 : memref<!tpu.dma_semaphore, #tpu.memory_space<semaphore_mem>>) src(%arg9 : memref<128xf32, #tpu.memory_space<vmem>>) dst(%dma_wait3A_70 : memref<10240xf32, #tpu.memory_space<vmem_shared>>)
      %add3A_71 = arith.constant 2 : i32
      %add3A_72 = arith.addi %mul3A_32, %add3A_71 : i32
      %lt3A = arith.constant 80 : i32
      %lt3A_73 = arith.cmpi slt, %add3A_72, %lt3A : i32
      %convert_element_type3A_74 = arith.extui %lt3A_73 : i1 to i32
      %cond3A_75 = arith.constant 0 : i32
      %cond3A_76 = arith.cmpi ne, %convert_element_type3A_74, %cond3A_75 : i32
      scf.if %cond3A_76 {
        %add3A_77 = arith.constant 2 : i32
        %add3A_78 = arith.addi %mul3A_32, %add3A_77 : i32
        %dma_start3A_79 = arith.constant 0 : i32
        %dma_start3A_80 = tpu.memref_slice %arg7[%add3A_78, %dma_start3A_79] : memref<80x128xi32, #tpu.memory_space<vmem>> -> memref<1x128xi32, #tpu.memory_space<vmem>>
        %dma_start3A_81 = tpu.memref_squeeze %dma_start3A_80 : memref<1x128xi32, #tpu.memory_space<vmem>> -> memref<128xi32, #tpu.memory_space<vmem>>
        %dma_start3A_82 = arith.constant 0 : i32
        %dma_start3A_83 = tpu.memref_slice %arg11[%dma_start3A_82] : memref<10240xf32, #tpu.memory_space<vmem_shared>> -> memref<10240xf32, #tpu.memory_space<vmem_shared>>
        tpu.enqueue_indirect_dma source(%dma_start3A_83 : memref<10240xf32, #tpu.memory_space<vmem_shared>>) target(%arg9 : memref<128xf32, #tpu.memory_space<vmem>>) offsets(%dma_start3A_81 : memref<128xi32, #tpu.memory_space<vmem>>) semaphore(%arg13 : memref<!tpu.dma_semaphore, #tpu.memory_space<semaphore_mem>>)
      } else {
      }
    }
    %scan3A_16 = arith.constant 40 : i32
    %dma_wait3A = arith.constant 79 : i32
    %dma_wait3A_17 = arith.constant 0 : i32
    %dma_wait3A_18 = tpu.memref_slice %arg8[%dma_wait3A, %dma_wait3A_17] : memref<80x128xi32, #tpu.memory_space<vmem>> -> memref<1x128xi32, #tpu.memory_space<vmem>>
    %dma_wait3A_19 = tpu.memref_squeeze %dma_wait3A_18 : memref<1x128xi32, #tpu.memory_space<vmem>> -> memref<128xi32, #tpu.memory_space<vmem>>
    %dma_wait3A_20 = arith.constant 0 : i32
    %dma_wait3A_21 = tpu.memref_slice %arg12[%dma_wait3A_20] : memref<10240xf32, #tpu.memory_space<vmem_shared>> -> memref<10240xf32, #tpu.memory_space<vmem_shared>>
    tpu.wait_indirect_dma semaphore(%arg16 : memref<!tpu.dma_semaphore, #tpu.memory_space<semaphore_mem>>) src(%arg10 : memref<128xf32, #tpu.memory_space<vmem>>) dst(%dma_wait3A_21 : memref<10240xf32, #tpu.memory_space<vmem_shared>>)
    %barrier3A_22 = arith.constant 0 : index
    tpu.barrier barrier_id(%barrier3A_22)
    %mul3A_23 = arith.constant 10240 : i32
    %mul3A_24 = arith.muli %arg0, %mul3A_23 : i32
    %mul3A_25 = arith.constant 640 : i32
    %mul3A_26 = arith.muli %arg1, %mul3A_25 : i32
    %add3A_27 = arith.addi %mul3A_24, %mul3A_26 : i32
    %mul3A_28 = arith.constant 640 : i32
    %mul3A_29 = arith.muli %arg1, %mul3A_28 : i32
    "tpu.region"() ({
      %run_scoped3A = tpu.sem_alloc : memref<!tpu.dma_semaphore, #tpu.memory_space<semaphore_mem>>
      %dma_start3A_30 = tpu.memref_slice %arg6[%add3A_27] : memref<20480xf32, #tpu.memory_space<hbm>> -> memref<640xf32, #tpu.memory_space<hbm>>
      %dma_start3A_31 = tpu.memref_slice %arg12[%mul3A_29] : memref<10240xf32, #tpu.memory_space<vmem_shared>> -> memref<640xf32, #tpu.memory_space<vmem_shared>>
      tpu.enqueue_dma source(%dma_start3A_31 : memref<640xf32, #tpu.memory_space<vmem_shared>>) target(%dma_start3A_30 : memref<640xf32, #tpu.memory_space<hbm>>) target_semaphore(%run_scoped3A : memref<!tpu.dma_semaphore, #tpu.memory_space<semaphore_mem>>)
      %dma_wait3A_32 = tpu.memref_slice %arg6[%add3A_27] : memref<20480xf32, #tpu.memory_space<hbm>> -> memref<640xf32, #tpu.memory_space<hbm>>
      %dma_wait3A_33 = tpu.memref_slice %arg12[%mul3A_29] : memref<10240xf32, #tpu.memory_space<vmem_shared>> -> memref<640xf32, #tpu.memory_space<vmem_shared>>
      tpu.wait_dma2 semaphore(%run_scoped3A : memref<!tpu.dma_semaphore, #tpu.memory_space<semaphore_mem>>) src(%dma_wait3A_33 : memref<640xf32, #tpu.memory_space<vmem_shared>>) dst(%dma_wait3A_32 : memref<640xf32, #tpu.memory_space<hbm>>)
      tpu.yield
    }) : () -> ()
    return
  }
}

#map = affine_map<(d0, d1) -> (0, 0)>
#map1 = affine_map<(d0, d1) -> (0, 0, 0)>
#map2 = affine_map<(d0, d1) -> (0)>
module attributes {stable_mosaic.version = 14 : i64} {
  func.func @_sc_agg_rows(%arg0: i32, %arg1: i32, %arg2: memref<32x10240xi32, #tpu.memory_space<hbm>>, %arg3: memref<32x80x128xi32, #tpu.memory_space<hbm>>, %arg4: memref<10000x128xf32, #tpu.memory_space<hbm>>, %arg5: memref<640x128xf32, #tpu.memory_space<hbm>>, %arg6: memref<10240xf32, #tpu.memory_space<hbm>>, %arg7: memref<20480x128xf32, #tpu.memory_space<hbm>>, %arg8: memref<20480xf32, #tpu.memory_space<hbm>>, %arg9: memref<128xi32, #tpu.memory_space<vmem>>, %arg10: memref<128xi32, #tpu.memory_space<vmem>>, %arg11: memref<80x128xi32, #tpu.memory_space<vmem>>, %arg12: memref<128x128xf32, #tpu.memory_space<vmem>>, %arg13: memref<128x128xf32, #tpu.memory_space<vmem>>, %arg14: memref<128xf32, #tpu.memory_space<vmem>>, %arg15: memref<10240x128xf32, #tpu.memory_space<vmem_shared>>, %arg16: memref<10240xf32, #tpu.memory_space<vmem_shared>>, %arg17: memref<!tpu.dma_semaphore, #tpu.memory_space<semaphore_mem>>, %arg18: memref<!tpu.dma_semaphore, #tpu.memory_space<semaphore_mem>>, %arg19: memref<!tpu.dma_semaphore, #tpu.memory_space<semaphore_mem>>, %arg20: memref<!tpu.dma_semaphore, #tpu.memory_space<semaphore_mem>>, %arg21: memref<!tpu.dma_semaphore, #tpu.memory_space<semaphore_mem>>, %arg22: memref<!tpu.dma_semaphore, #tpu.memory_space<semaphore_mem>>) attributes {dimension_semantics = [#tpu.dimension_semantics<core_parallel>, #tpu.dimension_semantics<subcore_parallel>], iteration_bounds = array<i64: 2, 16>, scalar_prefetch = 0 : i64, scratch_operands = 14 : i64, tpu.core_type = #tpu.core_type<sc_vector_subcore>, window_params = [{transform_indices = #map}, {transform_indices = #map1}, {transform_indices = #map}, {transform_indices = #map}, {transform_indices = #map2}, {transform_indices = #map}, {transform_indices = #map2}]} {
    %mul3A = arith.constant 16 : i32
    %mul3A_0 = arith.muli %arg0, %mul3A : i32
    %add3A = arith.addi %mul3A_0, %arg1 : i32
    %mul3A_1 = arith.constant 640 : i32
    %mul3A_2 = arith.muli %arg1, %mul3A_1 : i32
    "tpu.region"() ({
      %run_scoped3A = tpu.sem_alloc : memref<!tpu.dma_semaphore, #tpu.memory_space<semaphore_mem>>
      %dma_start3A_93 = arith.constant 0 : i32
      %dma_start3A_94 = tpu.memref_slice %arg15[%mul3A_2, %dma_start3A_93] : memref<10240x128xf32, #tpu.memory_space<vmem_shared>> -> memref<640x128xf32, #tpu.memory_space<vmem_shared>>
      tpu.enqueue_dma source(%arg5 : memref<640x128xf32, #tpu.memory_space<hbm>>) target(%dma_start3A_94 : memref<640x128xf32, #tpu.memory_space<vmem_shared>>) target_semaphore(%run_scoped3A : memref<!tpu.dma_semaphore, #tpu.memory_space<semaphore_mem>>)
      %dma_wait3A_95 = arith.constant 0 : i32
      %dma_wait3A_96 = tpu.memref_slice %arg15[%mul3A_2, %dma_wait3A_95] : memref<10240x128xf32, #tpu.memory_space<vmem_shared>> -> memref<640x128xf32, #tpu.memory_space<vmem_shared>>
      tpu.wait_dma2 semaphore(%run_scoped3A : memref<!tpu.dma_semaphore, #tpu.memory_space<semaphore_mem>>) src(%arg5 : memref<640x128xf32, #tpu.memory_space<hbm>>) dst(%dma_wait3A_96 : memref<640x128xf32, #tpu.memory_space<vmem_shared>>)
      tpu.yield
    }) : () -> ()
    %mul3A_3 = arith.constant 640 : i32
    %mul3A_4 = arith.muli %arg1, %mul3A_3 : i32
    "tpu.region"() ({
      %run_scoped3A = tpu.sem_alloc : memref<!tpu.dma_semaphore, #tpu.memory_space<semaphore_mem>>
      %dma_start3A_93 = tpu.memref_slice %arg16[%mul3A_4] : memref<10240xf32, #tpu.memory_space<vmem_shared>> -> memref<640xf32, #tpu.memory_space<vmem_shared>>
      %dma_start3A_94 = arith.constant 0 : i32
      %dma_start3A_95 = tpu.memref_slice %arg6[%dma_start3A_94] : memref<10240xf32, #tpu.memory_space<hbm>> -> memref<640xf32, #tpu.memory_space<hbm>>
      tpu.enqueue_dma source(%dma_start3A_95 : memref<640xf32, #tpu.memory_space<hbm>>) target(%dma_start3A_93 : memref<640xf32, #tpu.memory_space<vmem_shared>>) target_semaphore(%run_scoped3A : memref<!tpu.dma_semaphore, #tpu.memory_space<semaphore_mem>>)
      %dma_wait3A_96 = tpu.memref_slice %arg16[%mul3A_4] : memref<10240xf32, #tpu.memory_space<vmem_shared>> -> memref<640xf32, #tpu.memory_space<vmem_shared>>
      %dma_wait3A_97 = arith.constant 0 : i32
      %dma_wait3A_98 = tpu.memref_slice %arg6[%dma_wait3A_97] : memref<10240xf32, #tpu.memory_space<hbm>> -> memref<640xf32, #tpu.memory_space<hbm>>
      tpu.wait_dma2 semaphore(%run_scoped3A : memref<!tpu.dma_semaphore, #tpu.memory_space<semaphore_mem>>) src(%dma_wait3A_98 : memref<640xf32, #tpu.memory_space<hbm>>) dst(%dma_wait3A_96 : memref<640xf32, #tpu.memory_space<vmem_shared>>)
      tpu.yield
    }) : () -> ()
    "tpu.region"() ({
      %run_scoped3A = tpu.sem_alloc : memref<!tpu.dma_semaphore, #tpu.memory_space<semaphore_mem>>
      %dma_start3A_93 = arith.constant 0 : i32
      %dma_start3A_94 = arith.constant 0 : i32
      %dma_start3A_95 = tpu.memref_slice %arg3[%add3A, %dma_start3A_93, %dma_start3A_94] : memref<32x80x128xi32, #tpu.memory_space<hbm>> -> memref<1x80x128xi32, #tpu.memory_space<hbm>>
      %dma_start3A_96 = tpu.memref_squeeze %dma_start3A_95 : memref<1x80x128xi32, #tpu.memory_space<hbm>> -> memref<80x128xi32, #tpu.memory_space<hbm>>
      %dma_start3A_97 = arith.constant 0 : i32
      %dma_start3A_98 = arith.constant 0 : i32
      %dma_start3A_99 = tpu.memref_slice %arg3[%add3A, %dma_start3A_97, %dma_start3A_98] : memref<32x80x128xi32, #tpu.memory_space<hbm>> -> memref<1x80x128xi32, #tpu.memory_space<hbm>>
      %dma_start3A_100 = tpu.memref_squeeze %dma_start3A_99 : memref<1x80x128xi32, #tpu.memory_space<hbm>> -> memref<80x128xi32, #tpu.memory_space<hbm>>
      tpu.enqueue_dma source(%dma_start3A_100 : memref<80x128xi32, #tpu.memory_space<hbm>>) target(%arg11 : memref<80x128xi32, #tpu.memory_space<vmem>>) target_semaphore(%run_scoped3A : memref<!tpu.dma_semaphore, #tpu.memory_space<semaphore_mem>>)
      %dma_wait3A_101 = arith.constant 0 : i32
      %dma_wait3A_102 = arith.constant 0 : i32
      %dma_wait3A_103 = tpu.memref_slice %arg3[%add3A, %dma_wait3A_101, %dma_wait3A_102] : memref<32x80x128xi32, #tpu.memory_space<hbm>> -> memref<1x80x128xi32, #tpu.memory_space<hbm>>
      %dma_wait3A_104 = tpu.memref_squeeze %dma_wait3A_103 : memref<1x80x128xi32, #tpu.memory_space<hbm>> -> memref<80x128xi32, #tpu.memory_space<hbm>>
      %dma_wait3A_105 = arith.constant 0 : i32
      %dma_wait3A_106 = arith.constant 0 : i32
      %dma_wait3A_107 = tpu.memref_slice %arg3[%add3A, %dma_wait3A_105, %dma_wait3A_106] : memref<32x80x128xi32, #tpu.memory_space<hbm>> -> memref<1x80x128xi32, #tpu.memory_space<hbm>>
      %dma_wait3A_108 = tpu.memref_squeeze %dma_wait3A_107 : memref<1x80x128xi32, #tpu.memory_space<hbm>> -> memref<80x128xi32, #tpu.memory_space<hbm>>
      tpu.wait_dma2 semaphore(%run_scoped3A : memref<!tpu.dma_semaphore, #tpu.memory_space<semaphore_mem>>) src(%dma_wait3A_108 : memref<80x128xi32, #tpu.memory_space<hbm>>) dst(%arg11 : memref<80x128xi32, #tpu.memory_space<vmem>>)
      tpu.yield
    }) : () -> ()
    %broadcast_in_dim3A = arith.constant 1.000000e+00 : f32
    %broadcast_in_dim3A_5 = vector.broadcast %broadcast_in_dim3A : f32 to vector<16xf32>
    %swap3A = arith.constant 0 : index
    %swap3A_6 = tpu.vector_load %arg14[%swap3A] {strides = array<i32>} : memref<128xf32, #tpu.memory_space<vmem>>, vector<16xf32>,
    %swap3A_7 = vector.shape_cast %swap3A_6 : vector<16xf32> to vector<16xf32>
    %swap3A_8 = vector.shape_cast %broadcast_in_dim3A_5 : vector<16xf32> to vector<16xf32>
    tpu.vector_store %arg14[%swap3A], %swap3A_8 {strides = array<i32>} : memref<128xf32, #tpu.memory_space<vmem>>, vector<16xf32>,
    %broadcast_in_dim3A_9 = arith.constant 1.000000e+00 : f32
    %broadcast_in_dim3A_10 = vector.broadcast %broadcast_in_dim3A_9 : f32 to vector<16xf32>
    %swap3A_11 = arith.constant 16 : index
    %swap3A_12 = tpu.vector_load %arg14[%swap3A_11] {strides = array<i32>} : memref<128xf32, #tpu.memory_space<vmem>>, vector<16xf32>,
    %swap3A_13 = vector.shape_cast %swap3A_12 : vector<16xf32> to vector<16xf32>
    %swap3A_14 = vector.shape_cast %broadcast_in_dim3A_10 : vector<16xf32> to vector<16xf32>
    tpu.vector_store %arg14[%swap3A_11], %swap3A_14 {strides = array<i32>} : memref<128xf32, #tpu.memory_space<vmem>>, vector<16xf32>,
    %broadcast_in_dim3A_15 = arith.constant 1.000000e+00 : f32
    %broadcast_in_dim3A_16 = vector.broadcast %broadcast_in_dim3A_15 : f32 to vector<16xf32>
    %swap3A_17 = arith.constant 32 : index
    %swap3A_18 = tpu.vector_load %arg14[%swap3A_17] {strides = array<i32>} : memref<128xf32, #tpu.memory_space<vmem>>, vector<16xf32>,
    %swap3A_19 = vector.shape_cast %swap3A_18 : vector<16xf32> to vector<16xf32>
    %swap3A_20 = vector.shape_cast %broadcast_in_dim3A_16 : vector<16xf32> to vector<16xf32>
    tpu.vector_store %arg14[%swap3A_17], %swap3A_20 {strides = array<i32>} : memref<128xf32, #tpu.memory_space<vmem>>, vector<16xf32>,
    %broadcast_in_dim3A_21 = arith.constant 1.000000e+00 : f32
    %broadcast_in_dim3A_22 = vector.broadcast %broadcast_in_dim3A_21 : f32 to vector<16xf32>
    %swap3A_23 = arith.constant 48 : index
    %swap3A_24 = tpu.vector_load %arg14[%swap3A_23] {strides = array<i32>} : memref<128xf32, #tpu.memory_space<vmem>>, vector<16xf32>,
    %swap3A_25 = vector.shape_cast %swap3A_24 : vector<16xf32> to vector<16xf32>
    %swap3A_26 = vector.shape_cast %broadcast_in_dim3A_22 : vector<16xf32> to vector<16xf32>
    tpu.vector_store %arg14[%swap3A_23], %swap3A_26 {strides = array<i32>} : memref<128xf32, #tpu.memory_space<vmem>>, vector<16xf32>,
    %broadcast_in_dim3A_27 = arith.constant 1.000000e+00 : f32
    %broadcast_in_dim3A_28 = vector.broadcast %broadcast_in_dim3A_27 : f32 to vector<16xf32>
    %swap3A_29 = arith.constant 64 : index
    %swap3A_30 = tpu.vector_load %arg14[%swap3A_29] {strides = array<i32>} : memref<128xf32, #tpu.memory_space<vmem>>, vector<16xf32>,
    %swap3A_31 = vector.shape_cast %swap3A_30 : vector<16xf32> to vector<16xf32>
    %swap3A_32 = vector.shape_cast %broadcast_in_dim3A_28 : vector<16xf32> to vector<16xf32>
    tpu.vector_store %arg14[%swap3A_29], %swap3A_32 {strides = array<i32>} : memref<128xf32, #tpu.memory_space<vmem>>, vector<16xf32>,
    %broadcast_in_dim3A_33 = arith.constant 1.000000e+00 : f32
    %broadcast_in_dim3A_34 = vector.broadcast %broadcast_in_dim3A_33 : f32 to vector<16xf32>
    %swap3A_35 = arith.constant 80 : index
    %swap3A_36 = tpu.vector_load %arg14[%swap3A_35] {strides = array<i32>} : memref<128xf32, #tpu.memory_space<vmem>>, vector<16xf32>,
    %swap3A_37 = vector.shape_cast %swap3A_36 : vector<16xf32> to vector<16xf32>
    %swap3A_38 = vector.shape_cast %broadcast_in_dim3A_34 : vector<16xf32> to vector<16xf32>
    tpu.vector_store %arg14[%swap3A_35], %swap3A_38 {strides = array<i32>} : memref<128xf32, #tpu.memory_space<vmem>>, vector<16xf32>,
    %broadcast_in_dim3A_39 = arith.constant 1.000000e+00 : f32
    %broadcast_in_dim3A_40 = vector.broadcast %broadcast_in_dim3A_39 : f32 to vector<16xf32>
    %swap3A_41 = arith.constant 96 : index
    %swap3A_42 = tpu.vector_load %arg14[%swap3A_41] {strides = array<i32>} : memref<128xf32, #tpu.memory_space<vmem>>, vector<16xf32>,
    %swap3A_43 = vector.shape_cast %swap3A_42 : vector<16xf32> to vector<16xf32>
    %swap3A_44 = vector.shape_cast %broadcast_in_dim3A_40 : vector<16xf32> to vector<16xf32>
    tpu.vector_store %arg14[%swap3A_41], %swap3A_44 {strides = array<i32>} : memref<128xf32, #tpu.memory_space<vmem>>, vector<16xf32>,
    %broadcast_in_dim3A_45 = arith.constant 1.000000e+00 : f32
    %broadcast_in_dim3A_46 = vector.broadcast %broadcast_in_dim3A_45 : f32 to vector<16xf32>
    %swap3A_47 = arith.constant 112 : index
    %swap3A_48 = tpu.vector_load %arg14[%swap3A_47] {strides = array<i32>} : memref<128xf32, #tpu.memory_space<vmem>>, vector<16xf32>,
    %swap3A_49 = vector.shape_cast %swap3A_48 : vector<16xf32> to vector<16xf32>
    %swap3A_50 = vector.shape_cast %broadcast_in_dim3A_46 : vector<16xf32> to vector<16xf32>
    tpu.vector_store %arg14[%swap3A_47], %swap3A_50 {strides = array<i32>} : memref<128xf32, #tpu.memory_space<vmem>>, vector<16xf32>,
    %barrier3A = arith.constant 0 : index
    tpu.barrier barrier_id(%barrier3A)
    "tpu.region"() ({
      %run_scoped3A = tpu.sem_alloc : memref<!tpu.dma_semaphore, #tpu.memory_space<semaphore_mem>>
      %dma_start3A_93 = arith.constant 0 : i32
      %dma_start3A_94 = tpu.memref_slice %arg2[%add3A, %dma_start3A_93] : memref<32x10240xi32, #tpu.memory_space<hbm>> -> memref<1x128xi32, #tpu.memory_space<hbm>>
      %dma_start3A_95 = tpu.memref_squeeze %dma_start3A_94 : memref<1x128xi32, #tpu.memory_space<hbm>> -> memref<128xi32, #tpu.memory_space<hbm>>
      %dma_start3A_96 = arith.constant 0 : i32
      %dma_start3A_97 = tpu.memref_slice %arg2[%add3A, %dma_start3A_96] : memref<32x10240xi32, #tpu.memory_space<hbm>> -> memref<1x128xi32, #tpu.memory_space<hbm>>
      %dma_start3A_98 = tpu.memref_squeeze %dma_start3A_97 : memref<1x128xi32, #tpu.memory_space<hbm>> -> memref<128xi32, #tpu.memory_space<hbm>>
      tpu.enqueue_dma source(%dma_start3A_98 : memref<128xi32, #tpu.memory_space<hbm>>) target(%arg9 : memref<128xi32, #tpu.memory_space<vmem>>) target_semaphore(%run_scoped3A : memref<!tpu.dma_semaphore, #tpu.memory_space<semaphore_mem>>)
      %dma_wait3A_99 = arith.constant 0 : i32
      %dma_wait3A_100 = tpu.memref_slice %arg2[%add3A, %dma_wait3A_99] : memref<32x10240xi32, #tpu.memory_space<hbm>> -> memref<1x128xi32, #tpu.memory_space<hbm>>
      %dma_wait3A_101 = tpu.memref_squeeze %dma_wait3A_100 : memref<1x128xi32, #tpu.memory_space<hbm>> -> memref<128xi32, #tpu.memory_space<hbm>>
      %dma_wait3A_102 = arith.constant 0 : i32
      %dma_wait3A_103 = tpu.memref_slice %arg2[%add3A, %dma_wait3A_102] : memref<32x10240xi32, #tpu.memory_space<hbm>> -> memref<1x128xi32, #tpu.memory_space<hbm>>
      %dma_wait3A_104 = tpu.memref_squeeze %dma_wait3A_103 : memref<1x128xi32, #tpu.memory_space<hbm>> -> memref<128xi32, #tpu.memory_space<hbm>>
      tpu.wait_dma2 semaphore(%run_scoped3A : memref<!tpu.dma_semaphore, #tpu.memory_space<semaphore_mem>>) src(%dma_wait3A_104 : memref<128xi32, #tpu.memory_space<hbm>>) dst(%arg9 : memref<128xi32, #tpu.memory_space<vmem>>)
      tpu.yield
    }) : () -> ()
    %dma_start3A = arith.constant 0 : i32
    %dma_start3A_51 = arith.constant 0 : i32
    %dma_start3A_52 = tpu.memref_slice %arg12[%dma_start3A, %dma_start3A_51] : memref<128x128xf32, #tpu.memory_space<vmem>> -> memref<64x128xf32, #tpu.memory_space<vmem>>
    %dma_start3A_53 = arith.constant 0 : i32
    %dma_start3A_54 = tpu.memref_slice %arg9[%dma_start3A_53] : memref<128xi32, #tpu.memory_space<vmem>> -> memref<64xi32, #tpu.memory_space<vmem>>
    %dma_start3A_55 = arith.constant 0 : i32
    %dma_start3A_56 = arith.constant 0 : i32
    %dma_start3A_57 = tpu.memref_slice %arg4[%dma_start3A_55, %dma_start3A_56] : memref<10000x128xf32, #tpu.memory_space<hbm>> -> memref<10000x128xf32, #tpu.memory_space<hbm>>
    tpu.enqueue_indirect_dma source(%dma_start3A_57 : memref<10000x128xf32, #tpu.memory_space<hbm>>) target(%dma_start3A_52 : memref<64x128xf32, #tpu.memory_space<vmem>>) offsets(%dma_start3A_54 : memref<64xi32, #tpu.memory_space<vmem>>) semaphore(%arg17 : memref<!tpu.dma_semaphore, #tpu.memory_space<semaphore_mem>>)
    %dma_start3A_58 = arith.constant 64 : i32
    %dma_start3A_59 = arith.constant 0 : i32
    %dma_start3A_60 = tpu.memref_slice %arg12[%dma_start3A_58, %dma_start3A_59] : memref<128x128xf32, #tpu.memory_space<vmem>> -> memref<64x128xf32, #tpu.memory_space<vmem>>
    %dma_start3A_61 = arith.constant 64 : i32
    %dma_start3A_62 = tpu.memref_slice %arg9[%dma_start3A_61] : memref<128xi32, #tpu.memory_space<vmem>> -> memref<64xi32, #tpu.memory_space<vmem>>
    %dma_start3A_63 = arith.constant 0 : i32
    %dma_start3A_64 = arith.constant 0 : i32
    %dma_start3A_65 = tpu.memref_slice %arg4[%dma_start3A_63, %dma_start3A_64] : memref<10000x128xf32, #tpu.memory_space<hbm>> -> memref<10000x128xf32, #tpu.memory_space<hbm>>
    tpu.enqueue_indirect_dma source(%dma_start3A_65 : memref<10000x128xf32, #tpu.memory_space<hbm>>) target(%dma_start3A_60 : memref<64x128xf32, #tpu.memory_space<vmem>>) offsets(%dma_start3A_62 : memref<64xi32, #tpu.memory_space<vmem>>) semaphore(%arg18 : memref<!tpu.dma_semaphore, #tpu.memory_space<semaphore_mem>>)
    "tpu.region"() ({
      %run_scoped3A = tpu.sem_alloc : memref<!tpu.dma_semaphore, #tpu.memory_space<semaphore_mem>>
      %dma_start3A_93 = arith.constant 128 : i32
      %dma_start3A_94 = tpu.memref_slice %arg2[%add3A, %dma_start3A_93] : memref<32x10240xi32, #tpu.memory_space<hbm>> -> memref<1x128xi32, #tpu.memory_space<hbm>>
      %dma_start3A_95 = tpu.memref_squeeze %dma_start3A_94 : memref<1x128xi32, #tpu.memory_space<hbm>> -> memref<128xi32, #tpu.memory_space<hbm>>
      %dma_start3A_96 = arith.constant 128 : i32
      %dma_start3A_97 = tpu.memref_slice %arg2[%add3A, %dma_start3A_96] : memref<32x10240xi32, #tpu.memory_space<hbm>> -> memref<1x128xi32, #tpu.memory_space<hbm>>
      %dma_start3A_98 = tpu.memref_squeeze %dma_start3A_97 : memref<1x128xi32, #tpu.memory_space<hbm>> -> memref<128xi32, #tpu.memory_space<hbm>>
      tpu.enqueue_dma source(%dma_start3A_98 : memref<128xi32, #tpu.memory_space<hbm>>) target(%arg10 : memref<128xi32, #tpu.memory_space<vmem>>) target_semaphore(%run_scoped3A : memref<!tpu.dma_semaphore, #tpu.memory_space<semaphore_mem>>)
      %dma_wait3A_99 = arith.constant 128 : i32
      %dma_wait3A_100 = tpu.memref_slice %arg2[%add3A, %dma_wait3A_99] : memref<32x10240xi32, #tpu.memory_space<hbm>> -> memref<1x128xi32, #tpu.memory_space<hbm>>
      %dma_wait3A_101 = tpu.memref_squeeze %dma_wait3A_100 : memref<1x128xi32, #tpu.memory_space<hbm>> -> memref<128xi32, #tpu.memory_space<hbm>>
      %dma_wait3A_102 = arith.constant 128 : i32
      %dma_wait3A_103 = tpu.memref_slice %arg2[%add3A, %dma_wait3A_102] : memref<32x10240xi32, #tpu.memory_space<hbm>> -> memref<1x128xi32, #tpu.memory_space<hbm>>
      %dma_wait3A_104 = tpu.memref_squeeze %dma_wait3A_103 : memref<1x128xi32, #tpu.memory_space<hbm>> -> memref<128xi32, #tpu.memory_space<hbm>>
      tpu.wait_dma2 semaphore(%run_scoped3A : memref<!tpu.dma_semaphore, #tpu.memory_space<semaphore_mem>>) src(%dma_wait3A_104 : memref<128xi32, #tpu.memory_space<hbm>>) dst(%arg10 : memref<128xi32, #tpu.memory_space<vmem>>)
      tpu.yield
    }) : () -> ()
    %scan3A = arith.constant 0 : i32
    %scan3A_66 = arith.constant 0 : i32
    %scan3A_67 = arith.constant 40 : i32
    %scan3A_68 = arith.addi %scan3A_66, %scan3A_67 : i32
    %scan3A_69 = arith.constant 1 : i32
    scf.for %scan3A_93 = %scan3A_66 to %scan3A_68 step %scan3A_69  : i32 {
      %mul3A_94 = arith.constant 2 : i32
      %mul3A_95 = arith.muli %mul3A_94, %scan3A_93 : i32
      %dma_wait3A_96 = arith.constant 0 : i32
      %dma_wait3A_97 = arith.constant 0 : i32
      %dma_wait3A_98 = tpu.memref_slice %arg12[%dma_wait3A_96, %dma_wait3A_97] : memref<128x128xf32, #tpu.memory_space<vmem>> -> memref<64x128xf32, #tpu.memory_space<vmem>>
      %dma_wait3A_99 = arith.constant 0 : i32
      %dma_wait3A_100 = tpu.memref_slice %arg9[%dma_wait3A_99] : memref<128xi32, #tpu.memory_space<vmem>> -> memref<64xi32, #tpu.memory_space<vmem>>
      %dma_wait3A_101 = arith.constant 0 : i32
      %dma_wait3A_102 = arith.constant 0 : i32
      %dma_wait3A_103 = tpu.memref_slice %arg4[%dma_wait3A_101, %dma_wait3A_102] : memref<10000x128xf32, #tpu.memory_space<hbm>> -> memref<10000x128xf32, #tpu.memory_space<hbm>>
      tpu.wait_indirect_dma semaphore(%arg17 : memref<!tpu.dma_semaphore, #tpu.memory_space<semaphore_mem>>) src(%dma_wait3A_103 : memref<10000x128xf32, #tpu.memory_space<hbm>>) dst(%dma_wait3A_98 : memref<64x128xf32, #tpu.memory_space<vmem>>)
      %dma_wait3A_104 = arith.constant 64 : i32
      %dma_wait3A_105 = arith.constant 0 : i32
      %dma_wait3A_106 = tpu.memref_slice %arg12[%dma_wait3A_104, %dma_wait3A_105] : memref<128x128xf32, #tpu.memory_space<vmem>> -> memref<64x128xf32, #tpu.memory_space<vmem>>
      %dma_wait3A_107 = arith.constant 64 : i32
      %dma_wait3A_108 = tpu.memref_slice %arg9[%dma_wait3A_107] : memref<128xi32, #tpu.memory_space<vmem>> -> memref<64xi32, #tpu.memory_space<vmem>>
      %dma_wait3A_109 = arith.constant 0 : i32
      %dma_wait3A_110 = arith.constant 0 : i32
      %dma_wait3A_111 = tpu.memref_slice %arg4[%dma_wait3A_109, %dma_wait3A_110] : memref<10000x128xf32, #tpu.memory_space<hbm>> -> memref<10000x128xf32, #tpu.memory_space<hbm>>
      tpu.wait_indirect_dma semaphore(%arg18 : memref<!tpu.dma_semaphore, #tpu.memory_space<semaphore_mem>>) src(%dma_wait3A_111 : memref<10000x128xf32, #tpu.memory_space<hbm>>) dst(%dma_wait3A_106 : memref<64x128xf32, #tpu.memory_space<vmem>>)
      %dma_start3A_112 = arith.constant 0 : i32
      %dma_start3A_113 = tpu.memref_slice %arg11[%mul3A_95, %dma_start3A_112] : memref<80x128xi32, #tpu.memory_space<vmem>> -> memref<1x128xi32, #tpu.memory_space<vmem>>
      %dma_start3A_114 = tpu.memref_squeeze %dma_start3A_113 : memref<1x128xi32, #tpu.memory_space<vmem>> -> memref<128xi32, #tpu.memory_space<vmem>>
      %dma_start3A_115 = arith.constant 0 : i32
      %dma_start3A_116 = arith.constant 0 : i32
      %dma_start3A_117 = tpu.memref_slice %arg15[%dma_start3A_115, %dma_start3A_116] : memref<10240x128xf32, #tpu.memory_space<vmem_shared>> -> memref<10240x128xf32, #tpu.memory_space<vmem_shared>>
      tpu.enqueue_indirect_dma source(%arg12 : memref<128x128xf32, #tpu.memory_space<vmem>>) target(%dma_start3A_117 : memref<10240x128xf32, #tpu.memory_space<vmem_shared>>) offsets(%dma_start3A_114 : memref<128xi32, #tpu.memory_space<vmem>>) semaphore(%arg19 : memref<!tpu.dma_semaphore, #tpu.memory_space<semaphore_mem>>) {add = true}
      %dma_start3A_118 = arith.constant 0 : i32
      %dma_start3A_119 = tpu.memref_slice %arg11[%mul3A_95, %dma_start3A_118] : memref<80x128xi32, #tpu.memory_space<vmem>> -> memref<1x128xi32, #tpu.memory_space<vmem>>
      %dma_start3A_120 = tpu.memref_squeeze %dma_start3A_119 : memref<1x128xi32, #tpu.memory_space<vmem>> -> memref<128xi32, #tpu.memory_space<vmem>>
      %dma_start3A_121 = arith.constant 0 : i32
      %dma_start3A_122 = tpu.memref_slice %arg16[%dma_start3A_121] : memref<10240xf32, #tpu.memory_space<vmem_shared>> -> memref<10240xf32, #tpu.memory_space<vmem_shared>>
      tpu.enqueue_indirect_dma source(%arg14 : memref<128xf32, #tpu.memory_space<vmem>>) target(%dma_start3A_122 : memref<10240xf32, #tpu.memory_space<vmem_shared>>) offsets(%dma_start3A_120 : memref<128xi32, #tpu.memory_space<vmem>>) semaphore(%arg21 : memref<!tpu.dma_semaphore, #tpu.memory_space<semaphore_mem>>) {add = true}
      %gt3A = arith.constant 0 : i32
      %gt3A_123 = arith.cmpi sgt, %scan3A_93, %gt3A : i32
      %convert_element_type3A = arith.extui %gt3A_123 : i1 to i32
      %cond3A = arith.constant 0 : i32
      %cond3A_124 = arith.cmpi ne, %convert_element_type3A, %cond3A : i32
      scf.if %cond3A_124 {
        %dma_wait3A_203 = arith.constant 0 : i32
        %dma_wait3A_204 = tpu.memref_slice %arg11[%mul3A_95, %dma_wait3A_203] : memref<80x128xi32, #tpu.memory_space<vmem>> -> memref<1x128xi32, #tpu.memory_space<vmem>>
        %dma_wait3A_205 = tpu.memref_squeeze %dma_wait3A_204 : memref<1x128xi32, #tpu.memory_space<vmem>> -> memref<128xi32, #tpu.memory_space<vmem>>
        %dma_wait3A_206 = arith.constant 0 : i32
        %dma_wait3A_207 = arith.constant 0 : i32
        %dma_wait3A_208 = tpu.memref_slice %arg15[%dma_wait3A_206, %dma_wait3A_207] : memref<10240x128xf32, #tpu.memory_space<vmem_shared>> -> memref<10240x128xf32, #tpu.memory_space<vmem_shared>>
        tpu.wait_indirect_dma semaphore(%arg20 : memref<!tpu.dma_semaphore, #tpu.memory_space<semaphore_mem>>) src(%arg13 : memref<128x128xf32, #tpu.memory_space<vmem>>) dst(%dma_wait3A_208 : memref<10240x128xf32, #tpu.memory_space<vmem_shared>>)
        %dma_wait3A_209 = arith.constant 0 : i32
        %dma_wait3A_210 = tpu.memref_slice %arg11[%mul3A_95, %dma_wait3A_209] : memref<80x128xi32, #tpu.memory_space<vmem>> -> memref<1x128xi32, #tpu.memory_space<vmem>>
        %dma_wait3A_211 = tpu.memref_squeeze %dma_wait3A_210 : memref<1x128xi32, #tpu.memory_space<vmem>> -> memref<128xi32, #tpu.memory_space<vmem>>
        %dma_wait3A_212 = arith.constant 0 : i32
        %dma_wait3A_213 = tpu.memref_slice %arg16[%dma_wait3A_212] : memref<10240xf32, #tpu.memory_space<vmem_shared>> -> memref<10240xf32, #tpu.memory_space<vmem_shared>>
        tpu.wait_indirect_dma semaphore(%arg22 : memref<!tpu.dma_semaphore, #tpu.memory_space<semaphore_mem>>) src(%arg14 : memref<128xf32, #tpu.memory_space<vmem>>) dst(%dma_wait3A_213 : memref<10240xf32, #tpu.memory_space<vmem_shared>>)
      } else {
      }
      %dma_start3A_125 = arith.constant 0 : i32
      %dma_start3A_126 = arith.constant 0 : i32
      %dma_start3A_127 = tpu.memref_slice %arg13[%dma_start3A_125, %dma_start3A_126] : memref<128x128xf32, #tpu.memory_space<vmem>> -> memref<64x128xf32, #tpu.memory_space<vmem>>
      %dma_start3A_128 = arith.constant 0 : i32
      %dma_start3A_129 = tpu.memref_slice %arg10[%dma_start3A_128] : memref<128xi32, #tpu.memory_space<vmem>> -> memref<64xi32, #tpu.memory_space<vmem>>
      %dma_start3A_130 = arith.constant 0 : i32
      %dma_start3A_131 = arith.constant 0 : i32
      %dma_start3A_132 = tpu.memref_slice %arg4[%dma_start3A_130, %dma_start3A_131] : memref<10000x128xf32, #tpu.memory_space<hbm>> -> memref<10000x128xf32, #tpu.memory_space<hbm>>
      tpu.enqueue_indirect_dma source(%dma_start3A_132 : memref<10000x128xf32, #tpu.memory_space<hbm>>) target(%dma_start3A_127 : memref<64x128xf32, #tpu.memory_space<vmem>>) offsets(%dma_start3A_129 : memref<64xi32, #tpu.memory_space<vmem>>) semaphore(%arg17 : memref<!tpu.dma_semaphore, #tpu.memory_space<semaphore_mem>>)
      %dma_start3A_133 = arith.constant 64 : i32
      %dma_start3A_134 = arith.constant 0 : i32
      %dma_start3A_135 = tpu.memref_slice %arg13[%dma_start3A_133, %dma_start3A_134] : memref<128x128xf32, #tpu.memory_space<vmem>> -> memref<64x128xf32, #tpu.memory_space<vmem>>
      %dma_start3A_136 = arith.constant 64 : i32
      %dma_start3A_137 = tpu.memref_slice %arg10[%dma_start3A_136] : memref<128xi32, #tpu.memory_space<vmem>> -> memref<64xi32, #tpu.memory_space<vmem>>
      %dma_start3A_138 = arith.constant 0 : i32
      %dma_start3A_139 = arith.constant 0 : i32
      %dma_start3A_140 = tpu.memref_slice %arg4[%dma_start3A_138, %dma_start3A_139] : memref<10000x128xf32, #tpu.memory_space<hbm>> -> memref<10000x128xf32, #tpu.memory_space<hbm>>
      tpu.enqueue_indirect_dma source(%dma_start3A_140 : memref<10000x128xf32, #tpu.memory_space<hbm>>) target(%dma_start3A_135 : memref<64x128xf32, #tpu.memory_space<vmem>>) offsets(%dma_start3A_137 : memref<64xi32, #tpu.memory_space<vmem>>) semaphore(%arg18 : memref<!tpu.dma_semaphore, #tpu.memory_space<semaphore_mem>>)
      %add3A_141 = arith.constant 2 : i32
      %add3A_142 = arith.addi %mul3A_95, %add3A_141 : i32
      %lt3A = arith.constant 80 : i32
      %lt3A_143 = arith.cmpi slt, %add3A_142, %lt3A : i32
      %convert_element_type3A_144 = arith.extui %lt3A_143 : i1 to i32
      %cond3A_145 = arith.constant 0 : i32
      %cond3A_146 = arith.cmpi ne, %convert_element_type3A_144, %cond3A_145 : i32
      scf.if %cond3A_146 {
        %add3A_203 = arith.constant 2 : i32
        %add3A_204 = arith.addi %mul3A_95, %add3A_203 : i32
        %mul3A_205 = arith.constant 128 : i32
        %mul3A_206 = arith.muli %add3A_204, %mul3A_205 : i32
        "tpu.region"() ({
          %run_scoped3A = tpu.sem_alloc : memref<!tpu.dma_semaphore, #tpu.memory_space<semaphore_mem>>
          %dma_start3A_207 = tpu.memref_slice %arg2[%add3A, %mul3A_206] : memref<32x10240xi32, #tpu.memory_space<hbm>> -> memref<1x128xi32, #tpu.memory_space<hbm>>
          %dma_start3A_208 = tpu.memref_squeeze %dma_start3A_207 : memref<1x128xi32, #tpu.memory_space<hbm>> -> memref<128xi32, #tpu.memory_space<hbm>>
          %dma_start3A_209 = tpu.memref_slice %arg2[%add3A, %mul3A_206] : memref<32x10240xi32, #tpu.memory_space<hbm>> -> memref<1x128xi32, #tpu.memory_space<hbm>>
          %dma_start3A_210 = tpu.memref_squeeze %dma_start3A_209 : memref<1x128xi32, #tpu.memory_space<hbm>> -> memref<128xi32, #tpu.memory_space<hbm>>
          tpu.enqueue_dma source(%dma_start3A_210 : memref<128xi32, #tpu.memory_space<hbm>>) target(%arg9 : memref<128xi32, #tpu.memory_space<vmem>>) target_semaphore(%run_scoped3A : memref<!tpu.dma_semaphore, #tpu.memory_space<semaphore_mem>>)
          %dma_wait3A_211 = tpu.memref_slice %arg2[%add3A, %mul3A_206] : memref<32x10240xi32, #tpu.memory_space<hbm>> -> memref<1x128xi32, #tpu.memory_space<hbm>>
          %dma_wait3A_212 = tpu.memref_squeeze %dma_wait3A_211 : memref<1x128xi32, #tpu.memory_space<hbm>> -> memref<128xi32, #tpu.memory_space<hbm>>
          %dma_wait3A_213 = tpu.memref_slice %arg2[%add3A, %mul3A_206] : memref<32x10240xi32, #tpu.memory_space<hbm>> -> memref<1x128xi32, #tpu.memory_space<hbm>>
          %dma_wait3A_214 = tpu.memref_squeeze %dma_wait3A_213 : memref<1x128xi32, #tpu.memory_space<hbm>> -> memref<128xi32, #tpu.memory_space<hbm>>
          tpu.wait_dma2 semaphore(%run_scoped3A : memref<!tpu.dma_semaphore, #tpu.memory_space<semaphore_mem>>) src(%dma_wait3A_214 : memref<128xi32, #tpu.memory_space<hbm>>) dst(%arg9 : memref<128xi32, #tpu.memory_space<vmem>>)
          tpu.yield
        }) : () -> ()
      } else {
      }
      %dma_wait3A_147 = arith.constant 0 : i32
      %dma_wait3A_148 = arith.constant 0 : i32
      %dma_wait3A_149 = tpu.memref_slice %arg13[%dma_wait3A_147, %dma_wait3A_148] : memref<128x128xf32, #tpu.memory_space<vmem>> -> memref<64x128xf32, #tpu.memory_space<vmem>>
      %dma_wait3A_150 = arith.constant 0 : i32
      %dma_wait3A_151 = tpu.memref_slice %arg10[%dma_wait3A_150] : memref<128xi32, #tpu.memory_space<vmem>> -> memref<64xi32, #tpu.memory_space<vmem>>
      %dma_wait3A_152 = arith.constant 0 : i32
      %dma_wait3A_153 = arith.constant 0 : i32
      %dma_wait3A_154 = tpu.memref_slice %arg4[%dma_wait3A_152, %dma_wait3A_153] : memref<10000x128xf32, #tpu.memory_space<hbm>> -> memref<10000x128xf32, #tpu.memory_space<hbm>>
      tpu.wait_indirect_dma semaphore(%arg17 : memref<!tpu.dma_semaphore, #tpu.memory_space<semaphore_mem>>) src(%dma_wait3A_154 : memref<10000x128xf32, #tpu.memory_space<hbm>>) dst(%dma_wait3A_149 : memref<64x128xf32, #tpu.memory_space<vmem>>)
      %dma_wait3A_155 = arith.constant 64 : i32
      %dma_wait3A_156 = arith.constant 0 : i32
      %dma_wait3A_157 = tpu.memref_slice %arg13[%dma_wait3A_155, %dma_wait3A_156] : memref<128x128xf32, #tpu.memory_space<vmem>> -> memref<64x128xf32, #tpu.memory_space<vmem>>
      %dma_wait3A_158 = arith.constant 64 : i32
      %dma_wait3A_159 = tpu.memref_slice %arg10[%dma_wait3A_158] : memref<128xi32, #tpu.memory_space<vmem>> -> memref<64xi32, #tpu.memory_space<vmem>>
      %dma_wait3A_160 = arith.constant 0 : i32
      %dma_wait3A_161 = arith.constant 0 : i32
      %dma_wait3A_162 = tpu.memref_slice %arg4[%dma_wait3A_160, %dma_wait3A_161] : memref<10000x128xf32, #tpu.memory_space<hbm>> -> memref<10000x128xf32, #tpu.memory_space<hbm>>
      tpu.wait_indirect_dma semaphore(%arg18 : memref<!tpu.dma_semaphore, #tpu.memory_space<semaphore_mem>>) src(%dma_wait3A_162 : memref<10000x128xf32, #tpu.memory_space<hbm>>) dst(%dma_wait3A_157 : memref<64x128xf32, #tpu.memory_space<vmem>>)
      %add3A_163 = arith.constant 1 : i32
      %add3A_164 = arith.addi %mul3A_95, %add3A_163 : i32
      %dma_start3A_165 = arith.constant 0 : i32
      %dma_start3A_166 = tpu.memref_slice %arg11[%add3A_164, %dma_start3A_165] : memref<80x128xi32, #tpu.memory_space<vmem>> -> memref<1x128xi32, #tpu.memory_space<vmem>>
      %dma_start3A_167 = tpu.memref_squeeze %dma_start3A_166 : memref<1x128xi32, #tpu.memory_space<vmem>> -> memref<128xi32, #tpu.memory_space<vmem>>
      %dma_start3A_168 = arith.constant 0 : i32
      %dma_start3A_169 = arith.constant 0 : i32
      %dma_start3A_170 = tpu.memref_slice %arg15[%dma_start3A_168, %dma_start3A_169] : memref<10240x128xf32, #tpu.memory_space<vmem_shared>> -> memref<10240x128xf32, #tpu.memory_space<vmem_shared>>
      tpu.enqueue_indirect_dma source(%arg13 : memref<128x128xf32, #tpu.memory_space<vmem>>) target(%dma_start3A_170 : memref<10240x128xf32, #tpu.memory_space<vmem_shared>>) offsets(%dma_start3A_167 : memref<128xi32, #tpu.memory_space<vmem>>) semaphore(%arg20 : memref<!tpu.dma_semaphore, #tpu.memory_space<semaphore_mem>>) {add = true}
      %add3A_171 = arith.constant 1 : i32
      %add3A_172 = arith.addi %mul3A_95, %add3A_171 : i32
      %dma_start3A_173 = arith.constant 0 : i32
      %dma_start3A_174 = tpu.memref_slice %arg11[%add3A_172, %dma_start3A_173] : memref<80x128xi32, #tpu.memory_space<vmem>> -> memref<1x128xi32, #tpu.memory_space<vmem>>
      %dma_start3A_175 = tpu.memref_squeeze %dma_start3A_174 : memref<1x128xi32, #tpu.memory_space<vmem>> -> memref<128xi32, #tpu.memory_space<vmem>>
      %dma_start3A_176 = arith.constant 0 : i32
      %dma_start3A_177 = tpu.memref_slice %arg16[%dma_start3A_176] : memref<10240xf32, #tpu.memory_space<vmem_shared>> -> memref<10240xf32, #tpu.memory_space<vmem_shared>>
      tpu.enqueue_indirect_dma source(%arg14 : memref<128xf32, #tpu.memory_space<vmem>>) target(%dma_start3A_177 : memref<10240xf32, #tpu.memory_space<vmem_shared>>) offsets(%dma_start3A_175 : memref<128xi32, #tpu.memory_space<vmem>>) semaphore(%arg22 : memref<!tpu.dma_semaphore, #tpu.memory_space<semaphore_mem>>) {add = true}
      %dma_wait3A_178 = arith.constant 0 : i32
      %dma_wait3A_179 = tpu.memref_slice %arg11[%mul3A_95, %dma_wait3A_178] : memref<80x128xi32, #tpu.memory_space<vmem>> -> memref<1x128xi32, #tpu.memory_space<vmem>>
      %dma_wait3A_180 = tpu.memref_squeeze %dma_wait3A_179 : memref<1x128xi32, #tpu.memory_space<vmem>> -> memref<128xi32, #tpu.memory_space<vmem>>
      %dma_wait3A_181 = arith.constant 0 : i32
      %dma_wait3A_182 = arith.constant 0 : i32
      %dma_wait3A_183 = tpu.memref_slice %arg15[%dma_wait3A_181, %dma_wait3A_182] : memref<10240x128xf32, #tpu.memory_space<vmem_shared>> -> memref<10240x128xf32, #tpu.memory_space<vmem_shared>>
      tpu.wait_indirect_dma semaphore(%arg19 : memref<!tpu.dma_semaphore, #tpu.memory_space<semaphore_mem>>) src(%arg12 : memref<128x128xf32, #tpu.memory_space<vmem>>) dst(%dma_wait3A_183 : memref<10240x128xf32, #tpu.memory_space<vmem_shared>>)
      %dma_wait3A_184 = arith.constant 0 : i32
      %dma_wait3A_185 = tpu.memref_slice %arg11[%mul3A_95, %dma_wait3A_184] : memref<80x128xi32, #tpu.memory_space<vmem>> -> memref<1x128xi32, #tpu.memory_space<vmem>>
      %dma_wait3A_186 = tpu.memref_squeeze %dma_wait3A_185 : memref<1x128xi32, #tpu.memory_space<vmem>> -> memref<128xi32, #tpu.memory_space<vmem>>
      %dma_wait3A_187 = arith.constant 0 : i32
      %dma_wait3A_188 = tpu.memref_slice %arg16[%dma_wait3A_187] : memref<10240xf32, #tpu.memory_space<vmem_shared>> -> memref<10240xf32, #tpu.memory_space<vmem_shared>>
      tpu.wait_indirect_dma semaphore(%arg21 : memref<!tpu.dma_semaphore, #tpu.memory_space<semaphore_mem>>) src(%arg14 : memref<128xf32, #tpu.memory_space<vmem>>) dst(%dma_wait3A_188 : memref<10240xf32, #tpu.memory_space<vmem_shared>>)
      %add3A_189 = arith.constant 2 : i32
      %add3A_190 = arith.addi %mul3A_95, %add3A_189 : i32
      %lt3A_191 = arith.constant 80 : i32
      %lt3A_192 = arith.cmpi slt, %add3A_190, %lt3A_191 : i32
      %convert_element_type3A_193 = arith.extui %lt3A_192 : i1 to i32
      %cond3A_194 = arith.constant 0 : i32
      %cond3A_195 = arith.cmpi ne, %convert_element_type3A_193, %cond3A_194 : i32
      scf.if %cond3A_195 {
        %dma_start3A_203 = arith.constant 0 : i32
        %dma_start3A_204 = arith.constant 0 : i32
        %dma_start3A_205 = tpu.memref_slice %arg12[%dma_start3A_203, %dma_start3A_204] : memref<128x128xf32, #tpu.memory_space<vmem>> -> memref<64x128xf32, #tpu.memory_space<vmem>>
        %dma_start3A_206 = arith.constant 0 : i32
        %dma_start3A_207 = tpu.memref_slice %arg9[%dma_start3A_206] : memref<128xi32, #tpu.memory_space<vmem>> -> memref<64xi32, #tpu.memory_space<vmem>>
        %dma_start3A_208 = arith.constant 0 : i32
        %dma_start3A_209 = arith.constant 0 : i32
        %dma_start3A_210 = tpu.memref_slice %arg4[%dma_start3A_208, %dma_start3A_209] : memref<10000x128xf32, #tpu.memory_space<hbm>> -> memref<10000x128xf32, #tpu.memory_space<hbm>>
        tpu.enqueue_indirect_dma source(%dma_start3A_210 : memref<10000x128xf32, #tpu.memory_space<hbm>>) target(%dma_start3A_205 : memref<64x128xf32, #tpu.memory_space<vmem>>) offsets(%dma_start3A_207 : memref<64xi32, #tpu.memory_space<vmem>>) semaphore(%arg17 : memref<!tpu.dma_semaphore, #tpu.memory_space<semaphore_mem>>)
        %dma_start3A_211 = arith.constant 64 : i32
        %dma_start3A_212 = arith.constant 0 : i32
        %dma_start3A_213 = tpu.memref_slice %arg12[%dma_start3A_211, %dma_start3A_212] : memref<128x128xf32, #tpu.memory_space<vmem>> -> memref<64x128xf32, #tpu.memory_space<vmem>>
        %dma_start3A_214 = arith.constant 64 : i32
        %dma_start3A_215 = tpu.memref_slice %arg9[%dma_start3A_214] : memref<128xi32, #tpu.memory_space<vmem>> -> memref<64xi32, #tpu.memory_space<vmem>>
        %dma_start3A_216 = arith.constant 0 : i32
        %dma_start3A_217 = arith.constant 0 : i32
        %dma_start3A_218 = tpu.memref_slice %arg4[%dma_start3A_216, %dma_start3A_217] : memref<10000x128xf32, #tpu.memory_space<hbm>> -> memref<10000x128xf32, #tpu.memory_space<hbm>>
        tpu.enqueue_indirect_dma source(%dma_start3A_218 : memref<10000x128xf32, #tpu.memory_space<hbm>>) target(%dma_start3A_213 : memref<64x128xf32, #tpu.memory_space<vmem>>) offsets(%dma_start3A_215 : memref<64xi32, #tpu.memory_space<vmem>>) semaphore(%arg18 : memref<!tpu.dma_semaphore, #tpu.memory_space<semaphore_mem>>)
      } else {
      }
      %add3A_196 = arith.constant 3 : i32
      %add3A_197 = arith.addi %mul3A_95, %add3A_196 : i32
      %lt3A_198 = arith.constant 80 : i32
      %lt3A_199 = arith.cmpi slt, %add3A_197, %lt3A_198 : i32
      %convert_element_type3A_200 = arith.extui %lt3A_199 : i1 to i32
      %cond3A_201 = arith.constant 0 : i32
      %cond3A_202 = arith.cmpi ne, %convert_element_type3A_200, %cond3A_201 : i32
      scf.if %cond3A_202 {
        %add3A_203 = arith.constant 3 : i32
        %add3A_204 = arith.addi %mul3A_95, %add3A_203 : i32
        %mul3A_205 = arith.constant 128 : i32
        %mul3A_206 = arith.muli %add3A_204, %mul3A_205 : i32
        "tpu.region"() ({
          %run_scoped3A = tpu.sem_alloc : memref<!tpu.dma_semaphore, #tpu.memory_space<semaphore_mem>>
          %dma_start3A_207 = tpu.memref_slice %arg2[%add3A, %mul3A_206] : memref<32x10240xi32, #tpu.memory_space<hbm>> -> memref<1x128xi32, #tpu.memory_space<hbm>>
          %dma_start3A_208 = tpu.memref_squeeze %dma_start3A_207 : memref<1x128xi32, #tpu.memory_space<hbm>> -> memref<128xi32, #tpu.memory_space<hbm>>
          %dma_start3A_209 = tpu.memref_slice %arg2[%add3A, %mul3A_206] : memref<32x10240xi32, #tpu.memory_space<hbm>> -> memref<1x128xi32, #tpu.memory_space<hbm>>
          %dma_start3A_210 = tpu.memref_squeeze %dma_start3A_209 : memref<1x128xi32, #tpu.memory_space<hbm>> -> memref<128xi32, #tpu.memory_space<hbm>>
          tpu.enqueue_dma source(%dma_start3A_210 : memref<128xi32, #tpu.memory_space<hbm>>) target(%arg10 : memref<128xi32, #tpu.memory_space<vmem>>) target_semaphore(%run_scoped3A : memref<!tpu.dma_semaphore, #tpu.memory_space<semaphore_mem>>)
          %dma_wait3A_211 = tpu.memref_slice %arg2[%add3A, %mul3A_206] : memref<32x10240xi32, #tpu.memory_space<hbm>> -> memref<1x128xi32, #tpu.memory_space<hbm>>
          %dma_wait3A_212 = tpu.memref_squeeze %dma_wait3A_211 : memref<1x128xi32, #tpu.memory_space<hbm>> -> memref<128xi32, #tpu.memory_space<hbm>>
          %dma_wait3A_213 = tpu.memref_slice %arg2[%add3A, %mul3A_206] : memref<32x10240xi32, #tpu.memory_space<hbm>> -> memref<1x128xi32, #tpu.memory_space<hbm>>
          %dma_wait3A_214 = tpu.memref_squeeze %dma_wait3A_213 : memref<1x128xi32, #tpu.memory_space<hbm>> -> memref<128xi32, #tpu.memory_space<hbm>>
          tpu.wait_dma2 semaphore(%run_scoped3A : memref<!tpu.dma_semaphore, #tpu.memory_space<semaphore_mem>>) src(%dma_wait3A_214 : memref<128xi32, #tpu.memory_space<hbm>>) dst(%arg10 : memref<128xi32, #tpu.memory_space<vmem>>)
          tpu.yield
        }) : () -> ()
      } else {
      }
    }
    %scan3A_70 = arith.constant 40 : i32
    %dma_wait3A = arith.constant 79 : i32
    %dma_wait3A_71 = arith.constant 0 : i32
    %dma_wait3A_72 = tpu.memref_slice %arg11[%dma_wait3A, %dma_wait3A_71] : memref<80x128xi32, #tpu.memory_space<vmem>> -> memref<1x128xi32, #tpu.memory_space<vmem>>
    %dma_wait3A_73 = tpu.memref_squeeze %dma_wait3A_72 : memref<1x128xi32, #tpu.memory_space<vmem>> -> memref<128xi32, #tpu.memory_space<vmem>>
    %dma_wait3A_74 = arith.constant 0 : i32
    %dma_wait3A_75 = arith.constant 0 : i32
    %dma_wait3A_76 = tpu.memref_slice %arg15[%dma_wait3A_74, %dma_wait3A_75] : memref<10240x128xf32, #tpu.memory_space<vmem_shared>> -> memref<10240x128xf32, #tpu.memory_space<vmem_shared>>
    tpu.wait_indirect_dma semaphore(%arg20 : memref<!tpu.dma_semaphore, #tpu.memory_space<semaphore_mem>>) src(%arg13 : memref<128x128xf32, #tpu.memory_space<vmem>>) dst(%dma_wait3A_76 : memref<10240x128xf32, #tpu.memory_space<vmem_shared>>)
    %dma_wait3A_77 = arith.constant 79 : i32
    %dma_wait3A_78 = arith.constant 0 : i32
    %dma_wait3A_79 = tpu.memref_slice %arg11[%dma_wait3A_77, %dma_wait3A_78] : memref<80x128xi32, #tpu.memory_space<vmem>> -> memref<1x128xi32, #tpu.memory_space<vmem>>
    %dma_wait3A_80 = tpu.memref_squeeze %dma_wait3A_79 : memref<1x128xi32, #tpu.memory_space<vmem>> -> memref<128xi32, #tpu.memory_space<vmem>>
    %dma_wait3A_81 = arith.constant 0 : i32
    %dma_wait3A_82 = tpu.memref_slice %arg16[%dma_wait3A_81] : memref<10240xf32, #tpu.memory_space<vmem_shared>> -> memref<10240xf32, #tpu.memory_space<vmem_shared>>
    tpu.wait_indirect_dma semaphore(%arg22 : memref<!tpu.dma_semaphore, #tpu.memory_space<semaphore_mem>>) src(%arg14 : memref<128xf32, #tpu.memory_space<vmem>>) dst(%dma_wait3A_82 : memref<10240xf32, #tpu.memory_space<vmem_shared>>)
    %barrier3A_83 = arith.constant 0 : index
    tpu.barrier barrier_id(%barrier3A_83)
    %mul3A_84 = arith.constant 10240 : i32
    %mul3A_85 = arith.muli %arg0, %mul3A_84 : i32
    %mul3A_86 = arith.constant 640 : i32
    %mul3A_87 = arith.muli %arg1, %mul3A_86 : i32
    %add3A_88 = arith.addi %mul3A_85, %mul3A_87 : i32
    %mul3A_89 = arith.constant 640 : i32
    %mul3A_90 = arith.muli %arg1, %mul3A_89 : i32
    "tpu.region"() ({
      %run_scoped3A = tpu.sem_alloc : memref<!tpu.dma_semaphore, #tpu.memory_space<semaphore_mem>>
      %dma_start3A_93 = arith.constant 0 : i32
      %dma_start3A_94 = tpu.memref_slice %arg7[%add3A_88, %dma_start3A_93] : memref<20480x128xf32, #tpu.memory_space<hbm>> -> memref<640x128xf32, #tpu.memory_space<hbm>>
      %dma_start3A_95 = arith.constant 0 : i32
      %dma_start3A_96 = tpu.memref_slice %arg15[%mul3A_90, %dma_start3A_95] : memref<10240x128xf32, #tpu.memory_space<vmem_shared>> -> memref<640x128xf32, #tpu.memory_space<vmem_shared>>
      tpu.enqueue_dma source(%dma_start3A_96 : memref<640x128xf32, #tpu.memory_space<vmem_shared>>) target(%dma_start3A_94 : memref<640x128xf32, #tpu.memory_space<hbm>>) target_semaphore(%run_scoped3A : memref<!tpu.dma_semaphore, #tpu.memory_space<semaphore_mem>>)
      %dma_wait3A_97 = arith.constant 0 : i32
      %dma_wait3A_98 = tpu.memref_slice %arg7[%add3A_88, %dma_wait3A_97] : memref<20480x128xf32, #tpu.memory_space<hbm>> -> memref<640x128xf32, #tpu.memory_space<hbm>>
      %dma_wait3A_99 = arith.constant 0 : i32
      %dma_wait3A_100 = tpu.memref_slice %arg15[%mul3A_90, %dma_wait3A_99] : memref<10240x128xf32, #tpu.memory_space<vmem_shared>> -> memref<640x128xf32, #tpu.memory_space<vmem_shared>>
      tpu.wait_dma2 semaphore(%run_scoped3A : memref<!tpu.dma_semaphore, #tpu.memory_space<semaphore_mem>>) src(%dma_wait3A_100 : memref<640x128xf32, #tpu.memory_space<vmem_shared>>) dst(%dma_wait3A_98 : memref<640x128xf32, #tpu.memory_space<hbm>>)
      tpu.yield
    }) : () -> ()
    %mul3A_91 = arith.constant 640 : i32
    %mul3A_92 = arith.muli %arg1, %mul3A_91 : i32
    "tpu.region"() ({
      %run_scoped3A = tpu.sem_alloc : memref<!tpu.dma_semaphore, #tpu.memory_space<semaphore_mem>>
      %dma_start3A_93 = tpu.memref_slice %arg8[%add3A_88] : memref<20480xf32, #tpu.memory_space<hbm>> -> memref<640xf32, #tpu.memory_space<hbm>>
      %dma_start3A_94 = tpu.memref_slice %arg16[%mul3A_92] : memref<10240xf32, #tpu.memory_space<vmem_shared>> -> memref<640xf32, #tpu.memory_space<vmem_shared>>
      tpu.enqueue_dma source(%dma_start3A_94 : memref<640xf32, #tpu.memory_space<vmem_shared>>) target(%dma_start3A_93 : memref<640xf32, #tpu.memory_space<hbm>>) target_semaphore(%run_scoped3A : memref<!tpu.dma_semaphore, #tpu.memory_space<semaphore_mem>>)
      %dma_wait3A_95 = tpu.memref_slice %arg8[%add3A_88] : memref<20480xf32, #tpu.memory_space<hbm>> -> memref<640xf32, #tpu.memory_space<hbm>>
      %dma_wait3A_96 = tpu.memref_slice %arg16[%mul3A_92] : memref<10240xf32, #tpu.memory_space<vmem_shared>> -> memref<640xf32, #tpu.memory_space<vmem_shared>>
      tpu.wait_dma2 semaphore(%run_scoped3A : memref<!tpu.dma_semaphore, #tpu.memory_space<semaphore_mem>>) src(%dma_wait3A_96 : memref<640xf32, #tpu.memory_space<vmem_shared>>) dst(%dma_wait3A_95 : memref<640xf32, #tpu.memory_space<hbm>>)
      tpu.yield
    }) : () -> ()
    return
  }
}

module attributes {stable_mosaic.version = 14 : i64} {
  func.func @_tc_layer1_body(%arg0: i32, %arg1: memref<640x128xf32, #tpu.memory_space<vmem>>, %arg2: memref<640x128xf32, #tpu.memory_space<vmem>>, %arg3: memref<640x1xf32, #tpu.memory_space<vmem>>, %arg4: memref<640x1xf32, #tpu.memory_space<vmem>>, %arg5: memref<640x128xf32, #tpu.memory_space<vmem>>, %arg6: memref<128x128xf32, #tpu.memory_space<vmem>>, %arg7: memref<128x128xf32, #tpu.memory_space<vmem>>, %arg8: memref<1x128xf32, #tpu.memory_space<vmem>>, %arg9: memref<1x128xf32, #tpu.memory_space<vmem>>, %arg10: memref<1x128xf32, #tpu.memory_space<vmem>>, %arg11: memref<640x1xf32, #tpu.memory_space<vmem>>, %arg12: memref<640x1xf32, #tpu.memory_space<vmem>>, %arg13: memref<640x1xf32, #tpu.memory_space<vmem>>) attributes {dimension_semantics = [#tpu.dimension_semantics<arbitrary>], iteration_bounds = array<i64: 16>, scalar_prefetch = 0 : i64, scratch_operands = 0 : i64, tpu.core_type = #tpu.core_type<tc>, window_params = [{transform_indices = @transform_0, window_bounds = array<i64: 640, 128>}, {transform_indices = @transform_1, window_bounds = array<i64: 640, 128>}, {transform_indices = @transform_2, window_bounds = array<i64: 640, 1>}, {transform_indices = @transform_3, window_bounds = array<i64: 640, 1>}, {transform_indices = @transform_4, window_bounds = array<i64: 640, 128>}, {pipeline_mode = #tpu.pipeline_mode<synchronous>, transform_indices = @transform_5, window_bounds = array<i64: 128, 128>}, {pipeline_mode = #tpu.pipeline_mode<synchronous>, transform_indices = @transform_6, window_bounds = array<i64: 128, 128>}, {pipeline_mode = #tpu.pipeline_mode<synchronous>, transform_indices = @transform_7, window_bounds = array<i64: 1, 128>}, {pipeline_mode = #tpu.pipeline_mode<synchronous>, transform_indices = @transform_8, window_bounds = array<i64: 1, 128>}, {pipeline_mode = #tpu.pipeline_mode<synchronous>, transform_indices = @transform_9, window_bounds = array<i64: 1, 128>}, {transform_indices = @transform_10, window_bounds = array<i64: 640, 1>}, {transform_indices = @transform_11, window_bounds = array<i64: 640, 1>}, {transform_indices = @transform_12, window_bounds = array<i64: 640, 1>}]} {
    %get3A = arith.constant 0 : index
    %get3A_0 = arith.constant 0 : index
    %get3A_1 = vector.load %arg3[%get3A, %get3A_0] : memref<640x1xf32, #tpu.memory_space<vmem>>, vector<640x1xf32>
    %get3A_2 = arith.constant 0 : index
    %get3A_3 = arith.constant 0 : index
    %get3A_4 = vector.load %arg4[%get3A_2, %get3A_3] : memref<640x1xf32, #tpu.memory_space<vmem>>, vector<640x1xf32>
    %add3A = arith.addf %get3A_1, %get3A_4 : vector<640x1xf32>
    %max3A = arith.constant 1.000000e+00 : f32
    %max3A_5 = vector.broadcast %max3A : f32 to vector<640x1xf32>
    %max3A_6 = arith.maximumf %add3A, %max3A_5 : vector<640x1xf32>
    %get3A_7 = arith.constant 0 : index
    %get3A_8 = arith.constant 0 : index
    %get3A_9 = vector.load %arg1[%get3A_7, %get3A_8] : memref<640x128xf32, #tpu.memory_space<vmem>>, vector<640x128xf32>
    %get3A_10 = arith.constant 0 : index
    %get3A_11 = arith.constant 0 : index
    %get3A_12 = vector.load %arg2[%get3A_10, %get3A_11] : memref<640x128xf32, #tpu.memory_space<vmem>>, vector<640x128xf32>
    %add3A_13 = arith.addf %get3A_9, %get3A_12 : vector<640x128xf32>
    %div3A = vector.broadcast %max3A_6 : vector<640x1xf32> to vector<640x128xf32>
    %div3A_14 = arith.divf %add3A_13, %div3A : vector<640x128xf32>
    %get3A_15 = arith.constant 0 : index
    %get3A_16 = arith.constant 0 : index
    %get3A_17 = vector.load %arg6[%get3A_15, %get3A_16] : memref<128x128xf32, #tpu.memory_space<vmem>>, vector<128x128xf32>
    %dot_general3A = arith.constant dense<0.000000e+00> : vector<640x128xf32>
    %dot_general3A_18 = tpu.matmul %div3A_14, %get3A_17, %dot_general3A {dimension_numbers = #tpu.dot_dimension_numbers<[1], [0], [0], [1], [0, 0, 1, 1], [], []>, transpose_lhs_hint = false} : vector<640x128xf32>, vector<128x128xf32>, vector<640x128xf32> -> vector<640x128xf32>
    %get3A_19 = arith.constant 0 : index
    %get3A_20 = arith.constant 0 : index
    %get3A_21 = vector.load %arg5[%get3A_19, %get3A_20] : memref<640x128xf32, #tpu.memory_space<vmem>>, vector<640x128xf32>
    %get3A_22 = arith.constant 0 : index
    %get3A_23 = arith.constant 0 : index
    %get3A_24 = vector.load %arg7[%get3A_22, %get3A_23] : memref<128x128xf32, #tpu.memory_space<vmem>>, vector<128x128xf32>
    %dot_general3A_25 = arith.constant dense<0.000000e+00> : vector<640x128xf32>
    %dot_general3A_26 = tpu.matmul %get3A_21, %get3A_24, %dot_general3A_25 {dimension_numbers = #tpu.dot_dimension_numbers<[1], [0], [0], [1], [0, 0, 1, 1], [], []>, transpose_lhs_hint = false} : vector<640x128xf32>, vector<128x128xf32>, vector<640x128xf32> -> vector<640x128xf32>
    %add3A_27 = arith.addf %dot_general3A_18, %dot_general3A_26 : vector<640x128xf32>
    %get3A_28 = arith.constant 0 : index
    %get3A_29 = arith.constant 0 : index
    %get3A_30 = vector.load %arg8[%get3A_28, %get3A_29] : memref<1x128xf32, #tpu.memory_space<vmem>>, vector<1x128xf32>
    %add3A_31 = vector.broadcast %get3A_30 : vector<1x128xf32> to vector<640x128xf32>
    %add3A_32 = arith.addf %add3A_27, %add3A_31 : vector<640x128xf32>
    %max3A_33 = arith.constant 0.000000e+00 : f32
    %max3A_34 = vector.broadcast %max3A_33 : f32 to vector<640x128xf32>
    %max3A_35 = arith.maximumf %add3A_32, %max3A_34 : vector<640x128xf32>
    %get3A_36 = arith.constant 0 : index
    %get3A_37 = arith.constant 0 : index
    %get3A_38 = vector.load %arg9[%get3A_36, %get3A_37] : memref<1x128xf32, #tpu.memory_space<vmem>>, vector<1x128xf32>
    %mul3A = vector.broadcast %get3A_38 : vector<1x128xf32> to vector<640x128xf32>
    %mul3A_39 = arith.mulf %max3A_35, %mul3A : vector<640x128xf32>
    %reduce_sum3A = arith.constant dense<0.000000e+00> : vector<640xf32>
    %reduce_sum3A_40 = vector.multi_reduction <add>, %mul3A_39, %reduce_sum3A [1] : vector<640x128xf32> to vector<640xf32>
    %broadcast_in_dim3A = vector.shape_cast %reduce_sum3A_40 : vector<640xf32> to vector<640x1xf32>
    %swap3A = arith.constant 0 : index
    %swap3A_41 = arith.constant 0 : index
    %swap3A_42 = vector.load %arg11[%swap3A, %swap3A_41] : memref<640x1xf32, #tpu.memory_space<vmem>>, vector<640x1xf32>
    tpu.vector_store %arg11[%swap3A, %swap3A_41], %broadcast_in_dim3A {strides = array<i32>} : memref<640x1xf32, #tpu.memory_space<vmem>>, vector<640x1xf32>,
    %get3A_43 = arith.constant 0 : index
    %get3A_44 = arith.constant 0 : index
    %get3A_45 = vector.load %arg10[%get3A_43, %get3A_44] : memref<1x128xf32, #tpu.memory_space<vmem>>, vector<1x128xf32>
    %mul3A_46 = vector.broadcast %get3A_45 : vector<1x128xf32> to vector<640x128xf32>
    %mul3A_47 = arith.mulf %max3A_35, %mul3A_46 : vector<640x128xf32>
    %reduce_sum3A_48 = arith.constant dense<0.000000e+00> : vector<640xf32>
    %reduce_sum3A_49 = vector.multi_reduction <add>, %mul3A_47, %reduce_sum3A_48 [1] : vector<640x128xf32> to vector<640xf32>
    %broadcast_in_dim3A_50 = vector.shape_cast %reduce_sum3A_49 : vector<640xf32> to vector<640x1xf32>
    %swap3A_51 = arith.constant 0 : index
    %swap3A_52 = arith.constant 0 : index
    %swap3A_53 = vector.load %arg12[%swap3A_51, %swap3A_52] : memref<640x1xf32, #tpu.memory_space<vmem>>, vector<640x1xf32>
    tpu.vector_store %arg12[%swap3A_51, %swap3A_52], %broadcast_in_dim3A_50 {strides = array<i32>} : memref<640x1xf32, #tpu.memory_space<vmem>>, vector<640x1xf32>,
    %swap3A_54 = arith.constant 0 : index
    %swap3A_55 = arith.constant 0 : index
    %swap3A_56 = vector.load %arg13[%swap3A_54, %swap3A_55] : memref<640x1xf32, #tpu.memory_space<vmem>>, vector<640x1xf32>
    tpu.vector_store %arg13[%swap3A_54, %swap3A_55], %max3A_6 {strides = array<i32>} : memref<640x1xf32, #tpu.memory_space<vmem>>, vector<640x1xf32>,
    return
  }
  func.func @transform_0(%arg0: i32) -> (i32, i32) {
    %c0_i32 = arith.constant 0 : i32
    %c0_i32_0 = arith.constant 0 : i32
    return %arg0, %c0_i32 : i32, i32
  }
  func.func @transform_1(%arg0: i32) -> (i32, i32) {
    %add3A = arith.constant 16 : i32
    %add3A_0 = arith.addi %arg0, %add3A : i32
    %c0_i32 = arith.constant 0 : i32
    %c0_i32_1 = arith.constant 0 : i32
    return %add3A_0, %c0_i32 : i32, i32
  }
  func.func @transform_2(%arg0: i32) -> (i32, i32) {
    %c0_i32 = arith.constant 0 : i32
    %c0_i32_0 = arith.constant 0 : i32
    return %arg0, %c0_i32 : i32, i32
  }
  func.func @transform_3(%arg0: i32) -> (i32, i32) {
    %add3A = arith.constant 16 : i32
    %add3A_0 = arith.addi %arg0, %add3A : i32
    %c0_i32 = arith.constant 0 : i32
    %c0_i32_1 = arith.constant 0 : i32
    return %add3A_0, %c0_i32 : i32, i32
  }
  func.func @transform_4(%arg0: i32) -> (i32, i32) {
    %c0_i32 = arith.constant 0 : i32
    %c0_i32_0 = arith.constant 0 : i32
    return %arg0, %c0_i32 : i32, i32
  }
  func.func @transform_5(%arg0: i32) -> (i32, i32) {
    %c0_i32 = arith.constant 0 : i32
    %c0_i32_0 = arith.constant 0 : i32
    %c0_i32_1 = arith.constant 0 : i32
    return %c0_i32, %c0_i32_0 : i32, i32
  }
  func.func @transform_6(%arg0: i32) -> (i32, i32) {
    %c0_i32 = arith.constant 0 : i32
    %c0_i32_0 = arith.constant 0 : i32
    %c0_i32_1 = arith.constant 0 : i32
    return %c0_i32, %c0_i32_0 : i32, i32
  }
  func.func @transform_7(%arg0: i32) -> (i32, i32) {
    %c0_i32 = arith.constant 0 : i32
    %c0_i32_0 = arith.constant 0 : i32
    %c0_i32_1 = arith.constant 0 : i32
    return %c0_i32, %c0_i32_0 : i32, i32
  }
  func.func @transform_8(%arg0: i32) -> (i32, i32) {
    %c0_i32 = arith.constant 0 : i32
    %c0_i32_0 = arith.constant 0 : i32
    %c0_i32_1 = arith.constant 0 : i32
    return %c0_i32, %c0_i32_0 : i32, i32
  }
  func.func @transform_9(%arg0: i32) -> (i32, i32) {
    %c0_i32 = arith.constant 0 : i32
    %c0_i32_0 = arith.constant 0 : i32
    %c0_i32_1 = arith.constant 0 : i32
    return %c0_i32, %c0_i32_0 : i32, i32
  }
  func.func @transform_10(%arg0: i32) -> (i32, i32) {
    %c0_i32 = arith.constant 0 : i32
    %c0_i32_0 = arith.constant 0 : i32
    return %arg0, %c0_i32 : i32, i32
  }
  func.func @transform_11(%arg0: i32) -> (i32, i32) {
    %c0_i32 = arith.constant 0 : i32
    %c0_i32_0 = arith.constant 0 : i32
    return %arg0, %c0_i32 : i32, i32
  }
  func.func @transform_12(%arg0: i32) -> (i32, i32) {
    %c0_i32 = arith.constant 0 : i32
    %c0_i32_0 = arith.constant 0 : i32
    return %arg0, %c0_i32 : i32, i32
  }
}

module attributes {stable_mosaic.version = 14 : i64} {
  func.func @_tc_final_body(%arg0: i32, %arg1: memref<640x1xf32, #tpu.memory_space<vmem>>, %arg2: memref<640x1xf32, #tpu.memory_space<vmem>>, %arg3: memref<640x1xf32, #tpu.memory_space<vmem>>, %arg4: memref<640x1xf32, #tpu.memory_space<vmem>>, %arg5: memref<1x1xf32, #tpu.memory_space<vmem>>, %arg6: memref<640x1xf32, #tpu.memory_space<vmem>>) attributes {dimension_semantics = [#tpu.dimension_semantics<arbitrary>], iteration_bounds = array<i64: 16>, scalar_prefetch = 0 : i64, scratch_operands = 0 : i64, tpu.core_type = #tpu.core_type<tc>, window_params = [{transform_indices = @transform_0, window_bounds = array<i64: 640, 1>}, {transform_indices = @transform_1, window_bounds = array<i64: 640, 1>}, {transform_indices = @transform_2, window_bounds = array<i64: 640, 1>}, {transform_indices = @transform_3, window_bounds = array<i64: 640, 1>}, {pipeline_mode = #tpu.pipeline_mode<synchronous>, transform_indices = @transform_4, window_bounds = array<i64: 1, 1>}, {transform_indices = @transform_5, window_bounds = array<i64: 640, 1>}]} {
    %get3A = arith.constant 0 : index
    %get3A_0 = arith.constant 0 : index
    %get3A_1 = vector.load %arg1[%get3A, %get3A_0] : memref<640x1xf32, #tpu.memory_space<vmem>>, vector<640x1xf32>
    %get3A_2 = arith.constant 0 : index
    %get3A_3 = arith.constant 0 : index
    %get3A_4 = vector.load %arg2[%get3A_2, %get3A_3] : memref<640x1xf32, #tpu.memory_space<vmem>>, vector<640x1xf32>
    %add3A = arith.addf %get3A_1, %get3A_4 : vector<640x1xf32>
    %get3A_5 = arith.constant 0 : index
    %get3A_6 = arith.constant 0 : index
    %get3A_7 = vector.load %arg3[%get3A_5, %get3A_6] : memref<640x1xf32, #tpu.memory_space<vmem>>, vector<640x1xf32>
    %div3A = arith.divf %add3A, %get3A_7 : vector<640x1xf32>
    %get3A_8 = arith.constant 0 : index
    %get3A_9 = arith.constant 0 : index
    %get3A_10 = vector.load %arg4[%get3A_8, %get3A_9] : memref<640x1xf32, #tpu.memory_space<vmem>>, vector<640x1xf32>
    %add3A_11 = arith.addf %div3A, %get3A_10 : vector<640x1xf32>
    %get3A_12 = arith.constant 0 : index
    %get3A_13 = arith.constant 0 : index
    %get3A_14 = vector.load %arg5[%get3A_12, %get3A_13] : memref<1x1xf32, #tpu.memory_space<vmem>>, vector<1x1xf32>
    %add3A_15 = vector.broadcast %get3A_14 : vector<1x1xf32> to vector<640x1xf32>
    %add3A_16 = arith.addf %add3A_11, %add3A_15 : vector<640x1xf32>
    %swap3A = arith.constant 0 : index
    %swap3A_17 = arith.constant 0 : index
    %swap3A_18 = vector.load %arg6[%swap3A, %swap3A_17] : memref<640x1xf32, #tpu.memory_space<vmem>>, vector<640x1xf32>
    tpu.vector_store %arg6[%swap3A, %swap3A_17], %add3A_16 {strides = array<i32>} : memref<640x1xf32, #tpu.memory_space<vmem>>, vector<640x1xf32>,
    return
  }
  func.func @transform_0(%arg0: i32) -> (i32, i32) {
    %c0_i32 = arith.constant 0 : i32
    %c0_i32_0 = arith.constant 0 : i32
    return %arg0, %c0_i32 : i32, i32
  }
  func.func @transform_1(%arg0: i32) -> (i32, i32) {
    %add3A = arith.constant 16 : i32
    %add3A_0 = arith.addi %arg0, %add3A : i32
    %c0_i32 = arith.constant 0 : i32
    %c0_i32_1 = arith.constant 0 : i32
    return %add3A_0, %c0_i32 : i32, i32
  }
  func.func @transform_2(%arg0: i32) -> (i32, i32) {
    %c0_i32 = arith.constant 0 : i32
    %c0_i32_0 = arith.constant 0 : i32
    return %arg0, %c0_i32 : i32, i32
  }
  func.func @transform_3(%arg0: i32) -> (i32, i32) {
    %c0_i32 = arith.constant 0 : i32
    %c0_i32_0 = arith.constant 0 : i32
    return %arg0, %c0_i32 : i32, i32
  }
  func.func @transform_4(%arg0: i32) -> (i32, i32) {
    %c0_i32 = arith.constant 0 : i32
    %c0_i32_0 = arith.constant 0 : i32
    %c0_i32_1 = arith.constant 0 : i32
    return %c0_i32, %c0_i32_0 : i32, i32
  }
  func.func @transform_5(%arg0: i32) -> (i32, i32) {
    %c0_i32 = arith.constant 0 : i32
    %c0_i32_0 = arith.constant 0 : i32
    return %arg0, %c0_i32 : i32, i32
  }
}

</mosaic_0001>

<sc_bundles>
// kernel: kernel.6.cloned.1.call-start
scs
__scs_entry_jumppad:
0x0: {  	(pc) =	sbr.rel $0x88, $3  }
0x1: {  	(tag) =	ssettag $0x0;
	lr =	simm.s32 $0x1  }
0x2: {  	[smem:$0x3F99] =	sst lr;
	_ =	strace $0xD0000000  }
0x3: {  	_ = 	snop  }
0x4: {  	_ = 	snop  }
0x5: {  	_ = 	snop  }
0x6: {  	_ = 	snop  }
0x7: {  	_ = 	snop  }
__scs_overlays_trampoline_lowered:
0x8: {  	[smem:$0x3FA8] =	sst s0  }
0x9: {  	[smem:$0x3FA9] =	sst s1  }
0xa: {  	[smem:$0x3FAA] =	sst s2  }
0xb: {  	[smem:$0x3FAB] =	sst s3  }
0xc: {  	[smem:$0x3FAC] =	sst s4  }
0xd: {  	[smem:$0x3FAD] =	sst s5  }
0xe: {  	[smem:$0x3FAE] =	sst s6  }
0xf: {  	[smem:$0x3FAF] =	sst s7  }
0x10: {  	[smem:$0x3FB0] =	sst s8  }
0x11: {  	[smem:$0x3FB1] =	sst s9;
	s0 =	simm.s32 @!p0 $0x0  }
0x12: {  	s1 =	sld [smem:$0x3F97];
	s0 =	simm.s32 @p0 $0x1  }
0x13: {  	[smem:$0x3FB2] =	sst s0;
	s0 =	simm.s32 @!p1 $0x0  }
0x14: {  	s2 =	sld [smem:$0x3F96];
	s0 =	simm.s32 @p1 $0x1  }
0x15: {  	[smem:$0x3FB3] =	sst s0;
	s0 =	simm.s32 @!p2 $0x0  }
0x16: {  	s3 =	sld [smem:$0x3FDB];
	s0 =	simm.s32 @p2 $0x1  }
0x17: {  	s4 =	simm.s32 $0x1BF5;
	[smem:$0x3FB5] =	sst s0  }
0x18: {  	s0 =	sld [smem:$0x3F98];
	_ =	swait.ge [sflag:s4], $0x0  }
0x19: {  	s7 =	sld [smem:$0x3F99]  }
0x1a: {  	s8 =	sadd.s32 $0xFFFFE003, lr  }
0x1b: {  	s9 =	sadd.s32 $0xFFFFFEF7, lr;
	s5 =	simm.s32 $0xFFFFFFFF;
	p2 =	slt.u32 s8, $0xFFFFF086  }
0x1c: {  	p1 =	slt.u32 s9, $0xF7A;
	s5 =	simm.s32 @!p2 $0x0  }
0x1d: {  	s5 =	simm.s32 @p1 $0x1;
	p0 =	seq.s32 s7, s2  }
0x1e: {  	s7 =	smul.u32 @!p0 $0xF7A, s2;
	p2 =	seq.s32 @!p0 s5, $0x0  }
0x1f: {  	s9 =	smul.u32 $0xF7A, s1;
	s8 =	simm.s32 @!p0 $0x1BF5;
	p2 =	por !p2, p0  }
0x20: {  	[sflag:s8] =	ssyncset.s32 @!p0 $0xFFFFF086;
	s6 =	sadd.s32 @!p0 s3, s7;
	s7 =	simm.s32 @!p0 $0x108  }
0x21: {  	s3 =	sadd.s32 s3, s9;
	s6 =	sadd.s32 @!p0 $0x88, s6;
	s7 =	simm.s32 @p2 $0x1082  }
0x22: {  	[simem:s7], [sflag:s8] =	dma.local @!p0 [hbm:s6], $0xF7A  }
0x23: {  	s9 =	sor.u32 $0xD0000000, s2;
	s6 =	simm.s32 $0x108;
	_ =	swait.ge @!p0 [sflag:s8], $0x0  }
0x24: {  	s3 =	sadd.s32 $0x88, s3;
	s6 =	simm.s32 @!p1 $0x1082;
	[sflag:s4] =	ssyncset.s32 $0xFFFFF086  }
0x25: {  	[simem:s6], [sflag:s4] =	dma.local [hbm:s3], $0xF7A  }
0x26: {  	[smem:$0x3F99] =	sst s1;
	(tag) =	ssettag s2;
	_ =	strace s9  }
0x27: {  	s1 =	sld [smem:$0x3FA9]  }
0x28: {  	s2 =	sld [smem:$0x3FAA]  }
0x29: {  	s4 =	sld [smem:$0x3FAC]  }
0x2a: {  	p0 =	seq.s32 s5, $0x0;
	s5 =	sld [smem:$0x3FAD]  }
0x2b: {  	s6 =	sld [smem:$0x3FAE]  }
0x2c: {  	s7 =	sld [smem:$0x3FAF]  }
0x2d: {  	s3 =	simm.s32 $0x108;
	s8 =	sld [smem:$0x3FB0]  }
0x2e: {  	s3 =	simm.s32 @!p0 $0x1082;
	s9 =	sld [smem:$0x3FB1]  }
0x2f: {  	lr =	sadd.s32 s0, s3;
	s0 =	sld [smem:$0x3FA8]  }
0x30: {  	s3 =	sld [smem:$0x3FAB]  }
0x31: {  	[smem:$0x3FB4] =	sst s10  }
0x32: {  	s10 =	sld [smem:$0x3FB2];
	_ =	sdelay $0x3  }
0x33: {  	p0 =	seq.s32 s10, $0x1;
	s10 =	sld [smem:$0x3FB4];
	_ =	sdelay $0x3  }
0x34: {  	[smem:$0x3FB4] =	sst s10  }
0x35: {  	s10 =	sld [smem:$0x3FB3];
	_ =	sdelay $0x3  }
0x36: {  	p1 =	seq.s32 s10, $0x1;
	s10 =	sld [smem:$0x3FB4];
	_ =	sdelay $0x3  }
0x37: {  	[smem:$0x3FB4] =	sst s10  }
0x38: {  	s10 =	sld [smem:$0x3FB5]  }
0x39: {  	_ = 	snop;
	(pc) =	sbr.ind lr, $3  }
0x3a: {  	_ = 	snop  }
0x3b: {  	_ = 	snop  }
0x3c: {  	p2 =	seq.s32 s10, $0x1;
	s10 =	sld [smem:$0x3FB4]  }
0x3d: {  	_ =	shalt  }
0x3e: {  	_ =	shalt  }
0x3f: {  	_ =	shalt  }
0x40: {  	_ =	shalt  }
0x41: {  	_ =	shalt  }
0x42: {  	_ =	shalt  }
0x43: {  	_ =	shalt  }
0x44: {  	_ =	shalt  }
0x45: {  	_ =	shalt  }
0x46: {  	_ =	shalt  }
0x47: {  	_ =	shalt  }
0x48: {  	_ =	shalt  }
0x49: {  	_ =	shalt  }
0x4a: {  	_ =	shalt  }
0x4b: {  	_ =	shalt  }
0x4c: {  	_ =	shalt  }
0x4d: {  	_ =	shalt  }
0x4e: {  	_ =	shalt  }
0x4f: {  	_ =	shalt  }
0x50: {  	_ =	shalt  }
0x51: {  	_ =	shalt  }
0x52: {  	_ =	shalt  }
0x53: {  	_ =	shalt  }
0x54: {  	_ =	shalt  }
0x55: {  	_ =	shalt  }
0x56: {  	_ =	shalt  }
0x57: {  	_ =	shalt  }
0x58: {  	_ =	shalt  }
0x59: {  	_ =	shalt  }
0x5a: {  	_ =	shalt  }
0x5b: {  	_ =	shalt  }
0x5c: {  	_ =	shalt  }
0x5d: {  	_ =	shalt  }
0x5e: {  	_ =	shalt  }
0x5f: {  	_ =	shalt  }
0x60: {  	_ =	shalt  }
0x61: {  	_ =	shalt  }
0x62: {  	_ =	shalt  }
0x63: {  	_ =	shalt  }
0x64: {  	_ =	shalt  }
0x65: {  	_ =	shalt  }
0x66: {  	_ =	shalt  }
0x67: {  	_ =	shalt  }
0x68: {  	_ =	shalt  }
0x69: {  	_ =	shalt  }
0x6a: {  	_ =	shalt  }
0x6b: {  	_ =	shalt  }
0x6c: {  	_ =	shalt  }
0x6d: {  	_ =	shalt  }
0x6e: {  	_ =	shalt  }
0x6f: {  	_ =	shalt  }
0x70: {  	_ =	shalt  }
0x71: {  	_ =	shalt  }
0x72: {  	_ =	shalt  }
0x73: {  	_ =	shalt  }
0x74: {  	_ =	shalt  }
0x75: {  	_ =	shalt  }
0x76: {  	_ =	shalt  }
0x77: {  	_ =	shalt  }
0x78: {  	_ =	shalt  }
0x79: {  	_ =	shalt  }
0x7a: {  	_ =	shalt  }
0x7b: {  	_ =	shalt  }
0x7c: {  	_ =	shalt  }
0x7d: {  	_ =	shalt  }
0x7e: {  	_ =	shalt  }
0x7f: {  	_ =	shalt  }
0x80: {  	_ =	shalt  }
0x81: {  	_ =	shalt  }
0x82: {  	_ =	shalt  }
0x83: {  	_ =	shalt  }
0x84: {  	_ =	shalt  }
0x85: {  	_ =	shalt  }
0x86: {  	_ =	shalt  }
0x87: {  	_ =	shalt  }
.Lfunc_end0:
.L_simem_size_0:
called_computation_lowered:
.L_overlay_start_0:
0x88: {  	s2 =	sld [smem:$0x3FD9]  }
0x89: {  	s3 =	sld [smem:$0x3FFE];
	_ =	sdelay $0x1  }
0x8a: {  	s1 =	srdreg.scid  }
0x8b: {  	s0 =	sand.u32 $0x1, s1  }
0x8c: {  	s17 =	sshll.u32 s0, $0xA;
	s2 =	sadd.s32 s3, s2  }
0x8d: {  	s2 =	sadd.s32 s2, s17  }
0x8e: {  	[smem:$0x3FC0] =	sst s2  }
0x8f: {  	_ = 	snop  }
0x90: {  	s2 =	sld [smem:$0x3FC9];
	(tm) =	ssettm $0x1  }
0x91: {  	s18 =	sld [smem:$0x3FFB];
	_ =	sdelay $0x3  }
0x92: {  	_ =	strace s18  }
0x93: {  	s3 =	sld [smem:$0x3FFC];
	_ =	sdelay $0x3  }
0x94: {  	_ =	strace s3  }
0x95: {  	s3 =	sld [smem:$0x3FFD];
	_ =	sdelay $0x3  }
0x96: {  	_ =	strace s3  }
0x97: {  	_ =	strace $0x8FFFFFFF  }
0x98: {  	s19 =	sld [smem:$0x3FDB];
	_ =	sdelay $0x1  }
0x99: {  	s4 =	simm.s32 $_scs_section_size  }
0x9a: {  	s5 =	simm.s32 $_size__tile_overlayer_lowered;
	s6 =	simm.s32 $_tile_overlayer_lowered  }
0x9b: {  	s22 =	simm.s32 $0x1BFF;
	s21 =	sshll.u32 s6, $0x1;
	s3 =	sadd.s32 s4, s19  }
0x9c: {  	s7 =	simm.s32 $0x0;
	s20 =	sshll.u32 s5, $0x1;
	s5 =	sadd.s32 s21, s3  }
0x9d: {  	[timem:s7], [sflag:s22] =	dma.local [hbm:s5], s20  }
0x9e: {  	_ =	swait.ge [sflag:s22], s20  }
0x9f: {  	s4 =	ssub.s32 $0x0, s20;
	[sflag:s22] =	ssyncset.done $0x0  }
0xa0: {  	[sflag:s22] =	ssyncadd.s32 s4;
	_ =	sdelay $0x1  }
0xa1: {  	s23 =	simm.s32 $0x1B8B  }
0xa2: {  	_ =	swait.ge [sflag:s23], $0x1  }
0xa3: {  	[sflag:s23] =	ssyncset.done $0x0  }
0xa4: {  	s25 =	simm.s32 $0x1B8E;
	s24 =	sld [smem:$0x3FFE];
	[sflag:s23] =	ssyncadd.s32 $0xFFFFFFFF  }
0xa5: {  	s26 =	simm.s32 $execute0_lowered;
	[smem:$0x3FD2] =	sst s25  }
0xa6: {  	s5 =	sshll.u32 s26, $0x1;
	_ =	strace $0x80000046;
	[dreg:$0x1] =	wrdreg $0xFFFFFFFF  }
0xa7: {  	s28 =	simm.s32 $_size_execute0_lowered;
	s3 =	sadd.s32 s3, s5;
	[dreg:$0x0] =	wrdreg $0x0  }
0xa8: {  	s5 =	sshll.u32 s28, $0x1;
	[dreg:$0x2] =	wrdreg s3  }
0xa9: {  	[dreg:$0x3] =	wrdreg s5  }
0xaa: {  	[dreg:$0x4] =	wrdreg $0xC0  }
0xab: {  	_ =	task [dreg:s7], $0x5FFFF  }
0xac: {  	[dreg:$0x1] =	wrdreg $0xFFFFFFFF  }
0xad: {  	[dreg:$0x0] =	wrdreg $0x60  }
0xae: {  	[dreg:$0x2] =	wrdreg s24  }
0xaf: {  	[dreg:$0x3] =	wrdreg s2  }
0xb0: {  	[dreg:$0x4] =	wrdreg $0xA9800  }
0xb1: {  	[dreg:$0x5] =	wrdreg $0x1E9800  }
0xb2: {  	[dreg:$0x6] =	wrdreg $0x9  }
0xb3: {  	_ =	task.clear_ibuf [dreg:s7], $0x7FFFF;
	_ =	strace $0x90000046  }
0xb4: {  	s29 =	simm.s32 $0x9;
	_ =	strace $0x80000048  }
0xb5: {  	_ =	swait.ge [sflag:s29], $0x1  }
0xb6: {  	[sflag:s29] =	ssyncadd.s32 $0xFFFFFFFF  }
0xb7: {  	_ =	strace $0x90000048  }
0xb8: {  	_ =	sfence  }
0xb9: {  	s30 =	sld [smem:$0x0];
	_ =	sdelay $0x2  }
0xba: {  	s31 =	sshll.u32 s1, $0xD;
	s1 =	sshrl.u32 s1, $0x2  }
0xbb: {  	s3 =	sand.u32 $0x4000, s31;
	s1 =	sadd.s32 s1, s30  }
0xbc: {  	s0 =	sor.u32 s3, s0;
	s1 =	sshll.u32 s1, $0x11  }
0xbd: {  	s0 =	sor.u32 s1, s0  }
0xbe: {  	s0 =	sadd.s32 $0x8F2B, s0  }
0xbf: {  	[sflag:s0] =	ssyncadd.remote.s32 $0x1  }
0xc0: {  	_ =	sfence.sel $0xFFFF  }
0xc1: {  	[dreg:$0x0] =	wrdreg $0xFFFFFFFF;
	(pc) =	sbr.abs _section_cstart, $3  }
0xc2: {  	[dreg:$0x1] =	wrdreg $0xFFFFFFFF  }
0xc3: {  	_ =	task.clear_ibuf [dreg:s7], $0x2FFFF;
	_ =	strace $0x9FFFFFFF  }
0xc4: {  	(tm) =	ssettm $0x7FFFFFFF  }
0xc5: {  	_ =	shalt  }
tec
execute0_lowered:
.L_overlay_start_1:
0x0: {  	(tag) =	ssettag $0x1  }
0x1: {  	s2 =	rddreg [dreg:$0x0]  }
0x2: {  	s0 =	srdreg.scid;
	s1 =	rddreg [dreg:$0x1]  }
0x3: {  	s14 =	stileid.u32;
	s3 =	rddreg [dreg:$0x2];
	s5 =	simm.s32 $0x0  }
0x4: {  	s28 =	simm.s32 $0x1;
	s29 =	simm.s32 $0x2;
	s30 =	simm.s32 $0xA900  }
0x5: {  	s31 =	simm.s32 $0x6900;
	s0 =	sand.u32 $0x1, s0;
	s8 =	smul.u32 $0x280, s14  }
0x6: {  	[smem:$0x7FF] =	sst s5;
	s10 =	sadd.s32 $0x15600, s2;
	s11 =	sadd.s32 $0x1FC00, s2  }
0x7: {  	s12 =	sadd.s32 $0x1F600, s2;
	s15 =	smul.u32 $0x50000, s14;
	s4 =	sshll.u32 s0, $0x4  }
0x8: {  	s9 =	smul.u32 $0x2800, s0;
	s6 =	sor.u32 s14, s4;
	s4 =	rddreg [dreg:$0x3]  }
0x9: {  	s0 =	ssub.s32 $0x2, s0;
	_ =	strace $0x80000047;
	[dreg:$0x5] =	wrdreg s11  }
0xa: {  	s18 =	sshll.u32 s14, $0x6;
	[dreg:$0x6] =	wrdreg s12;
	s16 =	sshrl.u32 s0, $0x1  }
0xb: {  	s7 =	smul.u32 $0x500, s6;
	s9 =	sadd.s32 s8, s9;
	s6 =	sshrl.u32 s6, $0x3  }
0xc: {  	s0 =	ssub.s32 s0, s16;
	s8 =	sadd.s32 s8, s4;
	s13 =	sshll.u32 s9, $0x4  }
0xd: {  	s9 =	sshrl.u32 s9, $0x3;
	s6 =	smul.u32 $0x14000, s6;
	[dreg:$0x8] =	wrdreg s8  }
0xe: {  	s0 =	smax.u32 s0, $0x1;
	s8 =	simm.s32 $0x3;
	s7 =	sadd.s32 s7, s2  }
0xf: {  	s11 =	sadd.s32 s13, s2;
	s2 =	sadd.s32 s9, s2;
	s13 =	sshll.u32 s14, $0x7  }
0x10: {  	s9 =	sshrl.u32 s15, $0x2;
	[dreg:$0xe] =	wrdreg s0;
	s14 =	simm.s32 $0x0  }
0x11: {  	s17 =	sand.u32 $0x380, s13;
	s9 =	sadd.s32 s9, s3;
	s7 =	sadd.s32 $0x1600, s7  }
0x12: {  	s22 =	sadd.s32 $0x22E00, s11;
	s2 =	sadd.s32 $0x22400, s2;
	[dreg:$0x7] =	wrdreg s9  }
0x13: {  	s11 =	simm.s32 $0x4;
	s12 =	sor.u32 s17, s6;
	[dreg:$0x9] =	wrdreg s7  }
0x14: {  	s9 =	sor.u32 $0x1C07, s18;
	s6 =	sor.u32 s6, s13;
	[dreg:$0xc] =	wrdreg s22  }
0x15: {  	[dreg:$0xd] =	wrdreg s2;
	s22 =	simm.s32 $0x100;
	s13 =	simm.s32 $0x6  }
0x16: {  	s19 =	sshrl.u32 s12, $0x3;
	s21 =	sor.u32 $0x800, s12;
	s6 =	sor.u32 $0xC00, s6  }
0x17: {  	s25 =	sor.u32 $0x1000, s12;
	s20 =	sadd.s32 s10, s19;
	s23 =	sshrl.u32 s21, $0x3  }
0x18: {  	s24 =	sshrl.u32 s6, $0x3;
	s26 =	sshrl.u32 s25, $0x3;
	s21 =	simm.s32 $0x7  }
0x19: {  	s25 =	simm.s32 $0x4900;
	s6 =	simm.s32 $0x8;
	[dreg:$0xa] =	wrdreg s20  }
.Ltmp0:
0x1a: {  	s7 =	sadd.s32 $0x80, s20;
	s0 =	sadd.s32 s10, s23;
	(pc) =	sbr.rel .LBB2_1-.Ltmp0, $4  }
0x1b: {  	s2 =	sadd.s32 s10, s24;
	s20 =	sadd.s32 s26, s10;
	[dreg:$0xb] =	wrdreg s7  }
0x1c: {  	s23 =	simm.s32 $0x40;
	s24 =	simm.s32 $0x2900;
	[dreg:$0xf] =	wrdreg s0  }
0x1d: {  	s26 =	simm.s32 $0x80;
	s10 =	simm.s32 $0x5;
	[dreg:$0x10] =	wrdreg s2  }
0x1e: {  	v0 =	vimm.f32 $1.000000000e+00;
	s19 =	sadd.s32 $0x100, s2;
	s2 =	simm.s32 $0xC0;
	s0 =	simm.s32 $0x8900  }
.LBB2_4:
0x1f: {  	_ =	swait.ge [sflag:s11], $0x4000  }
0x20: {  	[sflag:s11] =	ssyncset.done $0x0  }
0x21: {  	[sflag:s11] =	ssyncadd.s32 $0xFFFFC000  }
0x22: {  	_ =	swait.ge [sflag:s13], $0x80  }
0x23: {  	[sflag:s13] =	ssyncset.done $0x0  }
0x24: {  	[sflag:s13] =	ssyncadd.s32 $0xFFFFFF80  }
0x25: {  	[bflag:$0x0] =	sbarrier.arrive $0xFFFF  }
0x26: {  	s7 =	rddreg [dreg:$0xc]  }
0x27: {  	[hbm:s7], [sflag:s9] =	dma.local [spmem:s12], $0x2800  }
0x28: {  	_ =	swait.ge [sflag:s21], $0x2800  }
0x29: {  	[sflag:s21] =	ssyncset.done $0x0  }
0x2a: {  	s17 =	rddreg [dreg:$0xd];
	[sflag:s21] =	ssyncadd.s32 $0xFFFFD800  }
0x2b: {  	[hbm:s17], [sflag:s9] =	dma.local [spmem:s15], $0x50  }
0x2c: {  	_ =	swait.ge [sflag:s21], $0x50  }
0x2d: {  	s14 =	sadd.s32 $0x1, s14;
	s18 =	rddreg [dreg:$0xe]  }
0x2e: {  	p0 =	sne.s32 s14, s18  }
.Ltmp1:
0x2f: {  	_ = 	snop;
	(pc) =	sbr.rel @!p0 .LBB2_5-.Ltmp1, $3  }
0x30: {  	_ =	sdelay $0x1  }
0x31: {  	[sflag:s21] =	ssyncset.done $0x0  }
0x32: {  	[sflag:s21] =	ssyncadd.s32 $0xFFFFFFB0  }
.LBB2_1:
0x33: {  	s7 =	rddreg [dreg:$0x7]  }
0x34: {  	s16 =	rddreg [dreg:$0x5];
	s12 =	sshrl.u32 s7, $0x3  }
0x35: {  	[spmem:s12], [sflag:s9] =	dma.local [hbm:s16], $0x2800  }
0x36: {  	_ =	swait.ge [sflag:s21], $0x2800  }
0x37: {  	[sflag:s21] =	ssyncset.done $0x0;
	s17 =	rddreg [dreg:$0x8]  }
0x38: {  	s18 =	rddreg [dreg:$0x6];
	[sflag:s21] =	ssyncadd.s32 $0xFFFFD800;
	s15 =	sshrl.u32 s17, $0x3  }
0x39: {  	[spmem:s15], [sflag:s9] =	dma.local [hbm:s18], $0x50  }
0x3a: {  	_ =	swait.ge [sflag:s21], $0x50  }
0x3b: {  	[sflag:s21] =	ssyncset.done $0x0  }
0x3c: {  	s16 =	rddreg [dreg:$0x9];
	[sflag:s21] =	ssyncadd.s32 $0xFFFFFFB0  }
0x3d: {  	[tilespmem:s22], [sflag:$0x7] =	stream.linear.gather [hbm4b:s16+s5], $0x2800, $0x38;
	[tilespmem:$0x1EC00] =	vst v63  }
0x3e: {  	_ =	swait.ge [sflag:s21], $0x2800  }
0x3f: {  	[sflag:s21] =	ssyncset.done $0x0  }
0x40: {  	[sflag:s21] =	ssyncadd.s32 $0xFFFFD800  }
0x41: {  	[tilespmem:$0xA900] =	vst v0  }
0x42: {  	[tilespmem:$0xA910] =	vst v0  }
0x43: {  	[tilespmem:$0xA920] =	vst v0  }
0x44: {  	[tilespmem:$0xA930] =	vst v0  }
0x45: {  	[tilespmem:$0xA940] =	vst v0  }
0x46: {  	[tilespmem:$0xA950] =	vst v0  }
0x47: {  	[tilespmem:$0xA960] =	vst v0  }
0x48: {  	[tilespmem:$0xA970] =	vst v0  }
0x49: {  	[bflag:$0x0] =	sbarrier.arrive $0xFFFF  }
0x4a: {  	s17 =	rddreg [dreg:$0xa]  }
0x4b: {  	[tilespmem:s5], [sflag:$0x7] =	stream.linear.gather [hbm4b:s17+s5], $0x80, $0x38;
	[tilespmem:$0x1EC00] =	vst v63  }
0x4c: {  	_ =	swait.ge [sflag:s21], $0x80  }
0x4d: {  	[sflag:s21] =	ssyncset.done $0x0  }
0x4e: {  	[sflag:s21] =	ssyncadd.s32 $0xFFFFFF80  }
0x4f: {  	[tilespmem:s24], [sflag:$0x1] =	stream.indirect.gather [hbm4b:s1+s23], $0x80, s5, s23, $0xb8;
	[tilespmem:$0x1EC00] =	vst v63  }
0x50: {  	_ = 	snop  }
0x51: {  	[tilespmem:s25], [sflag:$0x2] =	stream.indirect.gather [hbm4b:s1+s23], $0x80, s23, s23, $0xb8;
	[tilespmem:$0x1EC00] =	vst v63  }
0x52: {  	s18 =	rddreg [dreg:$0xb]  }
0x53: {  	[tilespmem:s26], [sflag:$0x7] =	stream.linear.gather [hbm4b:s18+s5], $0x80, $0x38;
	[tilespmem:$0x1EC00] =	vst v63  }
0x54: {  	_ =	swait.ge [sflag:s21], $0x80  }
0x55: {  	[sflag:s21] =	ssyncset.done $0x0  }
0x56: {  	[sflag:s21] =	ssyncadd.s32 $0xFFFFFF80  }
0x57: {  	_ =	swait.ge [sflag:s28], $0x2000  }
0x58: {  	[sflag:s28] =	ssyncset.done $0x0  }
0x59: {  	[sflag:s28] =	ssyncadd.s32 $0xFFFFE000  }
0x5a: {  	_ =	swait.ge [sflag:s29], $0x2000  }
0x5b: {  	[sflag:s29] =	ssyncset.done $0x0  }
0x5c: {  	[sflag:s29] =	ssyncadd.s32 $0xFFFFE000  }
0x5d: {  	[spmem:s3] =	stream.indirect.scatter.add.f32 [tilespmem:s24], [sflag:$0x3], $0x80, s22, s26, $0xb8;
	[tilespmem:$0x1EC00] =	vst v63  }
0x5e: {  	_ = 	snop  }
0x5f: {  	[spmem:s4] =	stream.indirect.scatter.add.f32 [tilespmem:s30], [sflag:$0x5], $0x1, s22, s26, $0xb8;
	[tilespmem:$0x1EC00] =	vst v63  }
0x60: {  	_ = 	snop  }
0x61: {  	[tilespmem:s31], [sflag:$0x1] =	stream.indirect.gather [hbm4b:s1+s23], $0x80, s26, s23, $0xb8;
	[tilespmem:$0x1EC00] =	vst v63  }
0x62: {  	_ = 	snop  }
0x63: {  	[tilespmem:s0], [sflag:$0x2] =	stream.indirect.gather [hbm4b:s1+s23], $0x80, s2, s23, $0xb8;
	[tilespmem:$0x1EC00] =	vst v63  }
0x64: {  	s16 =	rddreg [dreg:$0xf]  }
0x65: {  	[tilespmem:s5], [sflag:$0x8] =	stream.linear.gather [hbm4b:s16+s5], $0x80, $0x38;
	[tilespmem:$0x1EC00] =	vst v63  }
0x66: {  	_ =	swait.ge [sflag:s6], $0x80  }
0x67: {  	[sflag:s6] =	ssyncset.done $0x0  }
0x68: {  	[sflag:s6] =	ssyncadd.s32 $0xFFFFFF80  }
0x69: {  	_ =	swait.ge [sflag:s28], $0x2000  }
0x6a: {  	[sflag:s28] =	ssyncset.done $0x0  }
0x6b: {  	[sflag:s28] =	ssyncadd.s32 $0xFFFFE000  }
0x6c: {  	_ =	swait.ge [sflag:s29], $0x2000  }
0x6d: {  	[sflag:s29] =	ssyncset.done $0x0  }
0x6e: {  	s17 =	simm.s32 $0x180;
	[sflag:s29] =	ssyncadd.s32 $0xFFFFE000  }
0x6f: {  	[spmem:s3] =	stream.indirect.scatter.add.f32 [tilespmem:s31], [sflag:$0x4], $0x80, s17, s26, $0xb8;
	[tilespmem:$0x1EC00] =	vst v63  }
0x70: {  	_ = 	snop  }
0x71: {  	[spmem:s4] =	stream.indirect.scatter.add.f32 [tilespmem:s30], [sflag:$0x6], $0x1, s17, s26, $0xb8;
	[tilespmem:$0x1EC00] =	vst v63  }
0x72: {  	_ =	swait.ge [sflag:s8], $0x4000  }
0x73: {  	[sflag:s8] =	ssyncset.done $0x0  }
0x74: {  	[sflag:s8] =	ssyncadd.s32 $0xFFFFC000  }
0x75: {  	_ =	swait.ge [sflag:s10], $0x80  }
0x76: {  	[sflag:s10] =	ssyncset.done $0x0  }
0x77: {  	[sflag:s10] =	ssyncadd.s32 $0xFFFFFF80  }
0x78: {  	[tilespmem:s24], [sflag:$0x1] =	stream.indirect.gather [hbm4b:s1+s23], $0x80, s5, s23, $0xb8;
	[tilespmem:$0x1EC00] =	vst v63  }
0x79: {  	_ = 	snop  }
0x7a: {  	[tilespmem:s25], [sflag:$0x2] =	stream.indirect.gather [hbm4b:s1+s23], $0x80, s23, s23, $0xb8;
	[tilespmem:$0x1EC00] =	vst v63  }
0x7b: {  	s18 =	rddreg [dreg:$0x10]  }
0x7c: {  	[tilespmem:s26], [sflag:$0x7] =	stream.linear.gather [hbm4b:s18+s5], $0x80, $0x38;
	[tilespmem:$0x1EC00] =	vst v63  }
0x7d: {  	_ =	swait.ge [sflag:s21], $0x80  }
0x7e: {  	[sflag:s21] =	ssyncset.done $0x0  }
0x7f: {  	s16 =	simm.s32 $0x280;
	s17 =	simm.s32 $0x0;
	[sflag:s21] =	ssyncadd.s32 $0xFFFFFF80  }
.LBB2_2:
0x80: {  	_ =	swait.ge [sflag:s28], $0x2000  }
0x81: {  	[sflag:s28] =	ssyncset.done $0x0  }
0x82: {  	[sflag:s28] =	ssyncadd.s32 $0xFFFFE000  }
0x83: {  	_ =	swait.ge [sflag:s29], $0x2000  }
0x84: {  	[sflag:s29] =	ssyncset.done $0x0  }
0x85: {  	s18 =	sadd.s32 $0xFFFFFF80, s16;
	[sflag:s29] =	ssyncadd.s32 $0xFFFFE000  }
0x86: {  	[spmem:s3] =	stream.indirect.scatter.add.f32 [tilespmem:s24], [sflag:$0x3], $0x80, s18, s26, $0xb8;
	[tilespmem:$0x1EC00] =	vst v63  }
0x87: {  	_ = 	snop  }
0x88: {  	[spmem:s4] =	stream.indirect.scatter.add.f32 [tilespmem:s30], [sflag:$0x5], $0x1, s18, s26, $0xb8;
	[tilespmem:$0x1EC00] =	vst v63  }
0x89: {  	_ =	swait.ge [sflag:s11], $0x4000  }
0x8a: {  	[sflag:s11] =	ssyncset.done $0x0  }
0x8b: {  	[sflag:s11] =	ssyncadd.s32 $0xFFFFC000  }
0x8c: {  	_ =	swait.ge [sflag:s13], $0x80  }
0x8d: {  	[sflag:s13] =	ssyncset.done $0x0  }
0x8e: {  	[sflag:s13] =	ssyncadd.s32 $0xFFFFFF80  }
0x8f: {  	[tilespmem:s31], [sflag:$0x1] =	stream.indirect.gather [hbm4b:s1+s23], $0x80, s26, s23, $0xb8;
	[tilespmem:$0x1EC00] =	vst v63  }
0x90: {  	p0 =	seq.s32 s17, $0x2600  }
0x91: {  	[tilespmem:s0], [sflag:$0x2] =	stream.indirect.gather [hbm4b:s1+s23], $0x80, s2, s23, $0xb8;
	[tilespmem:$0x1EC00] =	vst v63  }
0x92: {  	s7 =	simm.s32 @!p0 $0x0;
	s18 =	sadd.s32 @!p0 s17, s20  }
0x93: {  	[tilespmem:s7], [sflag:$0x8] =	stream.linear.gather @!p0 [hbm4b:s18+s7], $0x80, $0x38;
	[tilespmem:$0x1EC00] =	vst v63  }
0x94: {  	s7 =	simm.s32 @!p0 $0x8  }
0x95: {  	_ =	swait.ge @!p0 [sflag:s7], $0x80  }
0x96: {  	[sflag:s7] =	ssyncset.done @!p0 $0x0  }
0x97: {  	[sflag:s7] =	ssyncadd.s32 @!p0 $0xFFFFFF80  }
0x98: {  	_ =	swait.ge [sflag:s28], $0x2000  }
0x99: {  	[sflag:s28] =	ssyncset.done $0x0  }
0x9a: {  	[sflag:s28] =	ssyncadd.s32 $0xFFFFE000  }
0x9b: {  	_ =	swait.ge [sflag:s29], $0x2000  }
0x9c: {  	[sflag:s29] =	ssyncset.done $0x0  }
0x9d: {  	[sflag:s29] =	ssyncadd.s32 $0xFFFFE000  }
0x9e: {  	[spmem:s3] =	stream.indirect.scatter.add.f32 [tilespmem:s31], [sflag:$0x4], $0x80, s16, s26, $0xb8;
	[tilespmem:$0x1EC00] =	vst v63  }
0x9f: {  	_ = 	snop  }
0xa0: {  	[spmem:s4] =	stream.indirect.scatter.add.f32 [tilespmem:s30], [sflag:$0x6], $0x1, s16, s26, $0xb8;
	[tilespmem:$0x1EC00] =	vst v63  }
0xa1: {  	_ =	swait.ge [sflag:s8], $0x4000  }
.Ltmp2:
0xa2: {  	[sflag:s8] =	ssyncset.done $0x0;
	(pc) =	sbr.rel @p0 .LBB2_4-.Ltmp2, $4  }
0xa3: {  	[sflag:s8] =	ssyncadd.s32 $0xFFFFC000  }
0xa4: {  	_ =	swait.ge [sflag:s10], $0x80  }
0xa5: {  	[sflag:s10] =	ssyncset.done $0x0  }
0xa6: {  	[sflag:s10] =	ssyncadd.s32 $0xFFFFFF80  }
0xa7: {  	[tilespmem:s24], [sflag:$0x1] =	stream.indirect.gather [hbm4b:s1+s23], $0x80, s5, s23, $0xb8;
	[tilespmem:$0x1EC00] =	vst v63  }
0xa8: {  	_ = 	snop  }
0xa9: {  	[tilespmem:s25], [sflag:$0x2] =	stream.indirect.gather [hbm4b:s1+s23], $0x80, s23, s23, $0xb8;
	[tilespmem:$0x1EC00] =	vst v63  }
.Ltmp3:
0xaa: {  	s7 =	sadd.s32 s17, s19;
	(pc) =	sbr.rel .LBB2_2-.Ltmp3, $4  }
0xab: {  	[tilespmem:s26], [sflag:$0x7] =	stream.linear.gather [hbm4b:s7+s5], $0x80, $0x38;
	[tilespmem:$0x1EC00] =	vst v63  }
0xac: {  	_ =	swait.ge [sflag:s21], $0x80  }
0xad: {  	[sflag:s21] =	ssyncset.done $0x0  }
0xae: {  	s16 =	sadd.s32 $0x100, s16;
	s17 =	sadd.s32 $0x100, s17;
	[sflag:s21] =	ssyncadd.s32 $0xFFFFFF80  }
.LBB2_5:
0xaf: {  	_ =	sfence.sel $0x180000  }
0xb0: {  	[bflag:$0x0] =	sbarrier.arrive $0xFFFF  }
0xb1: {  	_ =	strace $0x90000047  }
0xb2: {  	s0 =	stileid.u32;
	[bflag:$0x2] =	sbarrier.arrive $0xFFFF  }
0xb3: {  	p0 =	sne.s32 s0, $0x0;
	s0 =	rddreg [dreg:$0x4]  }
0xb4: {  	s0 =	sadd.s32 @!p0 $0x100000, s0  }
0xb5: {  	[sflag:s0] =	ssyncadd.tile.s32 @!p0 $0x1;
	_ =	shalt  }
.Lfunc_end2:
_tile_overlayer_lowered:
.L_overlay_start_2:
0xb6: {  	(tag) =	ssettag $0x2  }
0xb7: {  	s0 =	rddreg [dreg:$0x0];
	s2 =	stileid.u32  }
0xb8: {  	s1 =	rddreg [dreg:$0x1];
	p0 =	sne.s32 s2, $0x0  }
0xb9: {  	s3 =	rddreg [dreg:$0x2];
	[bflag:$0x3] =	sbarrier.arrive $0xFFFF;
	s2 =	simm.s32 @!p0 $0x1C07  }
0xba: {  	[timem:s3], [sflag:s2] =	dma.local @!p0 [hbm:s0], s1  }
0xbb: {  	s0 =	simm.s32 @!p0 $0x7  }
0xbc: {  	_ =	swait.ge @!p0 [sflag:s0], s1  }
0xbd: {  	s1 =	ssub.s32 @!p0 $0x0, s1;
	[sflag:s0] =	ssyncset.done @!p0 $0x0  }
0xbe: {  	[sflag:s0] =	ssyncadd.s32 @!p0 s1  }
0xbf: {  	[bflag:$0x3] =	sbarrier.arrive $0xFFFF  }
0xc0: {  	_ =	shalt  }

// kernel: kernel.9.cloned.1.call-start
scs
__scs_entry_jumppad:
0x0: {  	(pc) =	sbr.rel $0x88, $3  }
0x1: {  	(tag) =	ssettag $0x0;
	lr =	simm.s32 $0x1  }
0x2: {  	[smem:$0x3F99] =	sst lr;
	_ =	strace $0xD0000000  }
0x3: {  	_ = 	snop  }
0x4: {  	_ = 	snop  }
0x5: {  	_ = 	snop  }
0x6: {  	_ = 	snop  }
0x7: {  	_ = 	snop  }
__scs_overlays_trampoline_lowered:
0x8: {  	[smem:$0x3FA8] =	sst s0  }
0x9: {  	[smem:$0x3FA9] =	sst s1  }
0xa: {  	[smem:$0x3FAA] =	sst s2  }
0xb: {  	[smem:$0x3FAB] =	sst s3  }
0xc: {  	[smem:$0x3FAC] =	sst s4  }
0xd: {  	[smem:$0x3FAD] =	sst s5  }
0xe: {  	[smem:$0x3FAE] =	sst s6  }
0xf: {  	[smem:$0x3FAF] =	sst s7  }
0x10: {  	[smem:$0x3FB0] =	sst s8  }
0x11: {  	[smem:$0x3FB1] =	sst s9;
	s0 =	simm.s32 @!p0 $0x0  }
0x12: {  	s1 =	sld [smem:$0x3F97];
	s0 =	simm.s32 @p0 $0x1  }
0x13: {  	[smem:$0x3FB2] =	sst s0;
	s0 =	simm.s32 @!p1 $0x0  }
0x14: {  	s2 =	sld [smem:$0x3F96];
	s0 =	simm.s32 @p1 $0x1  }
0x15: {  	[smem:$0x3FB3] =	sst s0;
	s0 =	simm.s32 @!p2 $0x0  }
0x16: {  	s3 =	sld [smem:$0x3FDB];
	s0 =	simm.s32 @p2 $0x1  }
0x17: {  	s4 =	simm.s32 $0x1BF5;
	[smem:$0x3FB5] =	sst s0  }
0x18: {  	s0 =	sld [smem:$0x3F98];
	_ =	swait.ge [sflag:s4], $0x0  }
0x19: {  	s7 =	sld [smem:$0x3F99]  }
0x1a: {  	s8 =	sadd.s32 $0xFFFFE003, lr  }
0x1b: {  	s9 =	sadd.s32 $0xFFFFFEF7, lr;
	s5 =	simm.s32 $0xFFFFFFFF;
	p2 =	slt.u32 s8, $0xFFFFF086  }
0x1c: {  	p1 =	slt.u32 s9, $0xF7A;
	s5 =	simm.s32 @!p2 $0x0  }
0x1d: {  	s5 =	simm.s32 @p1 $0x1;
	p0 =	seq.s32 s7, s2  }
0x1e: {  	s7 =	smul.u32 @!p0 $0xF7A, s2;
	p2 =	seq.s32 @!p0 s5, $0x0  }
0x1f: {  	s9 =	smul.u32 $0xF7A, s1;
	s8 =	simm.s32 @!p0 $0x1BF5;
	p2 =	por !p2, p0  }
0x20: {  	[sflag:s8] =	ssyncset.s32 @!p0 $0xFFFFF086;
	s6 =	sadd.s32 @!p0 s3, s7;
	s7 =	simm.s32 @!p0 $0x108  }
0x21: {  	s3 =	sadd.s32 s3, s9;
	s6 =	sadd.s32 @!p0 $0x88, s6;
	s7 =	simm.s32 @p2 $0x1082  }
0x22: {  	[simem:s7], [sflag:s8] =	dma.local @!p0 [hbm:s6], $0xF7A  }
0x23: {  	s9 =	sor.u32 $0xD0000000, s2;
	s6 =	simm.s32 $0x108;
	_ =	swait.ge @!p0 [sflag:s8], $0x0  }
0x24: {  	s3 =	sadd.s32 $0x88, s3;
	s6 =	simm.s32 @!p1 $0x1082;
	[sflag:s4] =	ssyncset.s32 $0xFFFFF086  }
0x25: {  	[simem:s6], [sflag:s4] =	dma.local [hbm:s3], $0xF7A  }
0x26: {  	[smem:$0x3F99] =	sst s1;
	(tag) =	ssettag s2;
	_ =	strace s9  }
0x27: {  	s1 =	sld [smem:$0x3FA9]  }
0x28: {  	s2 =	sld [smem:$0x3FAA]  }
0x29: {  	s4 =	sld [smem:$0x3FAC]  }
0x2a: {  	p0 =	seq.s32 s5, $0x0;
	s5 =	sld [smem:$0x3FAD]  }
0x2b: {  	s6 =	sld [smem:$0x3FAE]  }
0x2c: {  	s7 =	sld [smem:$0x3FAF]  }
0x2d: {  	s3 =	simm.s32 $0x108;
	s8 =	sld [smem:$0x3FB0]  }
0x2e: {  	s3 =	simm.s32 @!p0 $0x1082;
	s9 =	sld [smem:$0x3FB1]  }
0x2f: {  	lr =	sadd.s32 s0, s3;
	s0 =	sld [smem:$0x3FA8]  }
0x30: {  	s3 =	sld [smem:$0x3FAB]  }
0x31: {  	[smem:$0x3FB4] =	sst s10  }
0x32: {  	s10 =	sld [smem:$0x3FB2];
	_ =	sdelay $0x3  }
0x33: {  	p0 =	seq.s32 s10, $0x1;
	s10 =	sld [smem:$0x3FB4];
	_ =	sdelay $0x3  }
0x34: {  	[smem:$0x3FB4] =	sst s10  }
0x35: {  	s10 =	sld [smem:$0x3FB3];
	_ =	sdelay $0x3  }
0x36: {  	p1 =	seq.s32 s10, $0x1;
	s10 =	sld [smem:$0x3FB4];
	_ =	sdelay $0x3  }
0x37: {  	[smem:$0x3FB4] =	sst s10  }
0x38: {  	s10 =	sld [smem:$0x3FB5]  }
0x39: {  	_ = 	snop;
	(pc) =	sbr.ind lr, $3  }
0x3a: {  	_ = 	snop  }
0x3b: {  	_ = 	snop  }
0x3c: {  	p2 =	seq.s32 s10, $0x1;
	s10 =	sld [smem:$0x3FB4]  }
0x3d: {  	_ =	shalt  }
0x3e: {  	_ =	shalt  }
0x3f: {  	_ =	shalt  }
0x40: {  	_ =	shalt  }
0x41: {  	_ =	shalt  }
0x42: {  	_ =	shalt  }
0x43: {  	_ =	shalt  }
0x44: {  	_ =	shalt  }
0x45: {  	_ =	shalt  }
0x46: {  	_ =	shalt  }
0x47: {  	_ =	shalt  }
0x48: {  	_ =	shalt  }
0x49: {  	_ =	shalt  }
0x4a: {  	_ =	shalt  }
0x4b: {  	_ =	shalt  }
0x4c: {  	_ =	shalt  }
0x4d: {  	_ =	shalt  }
0x4e: {  	_ =	shalt  }
0x4f: {  	_ =	shalt  }
0x50: {  	_ =	shalt  }
0x51: {  	_ =	shalt  }
0x52: {  	_ =	shalt  }
0x53: {  	_ =	shalt  }
0x54: {  	_ =	shalt  }
0x55: {  	_ =	shalt  }
0x56: {  	_ =	shalt  }
0x57: {  	_ =	shalt  }
0x58: {  	_ =	shalt  }
0x59: {  	_ =	shalt  }
0x5a: {  	_ =	shalt  }
0x5b: {  	_ =	shalt  }
0x5c: {  	_ =	shalt  }
0x5d: {  	_ =	shalt  }
0x5e: {  	_ =	shalt  }
0x5f: {  	_ =	shalt  }
0x60: {  	_ =	shalt  }
0x61: {  	_ =	shalt  }
0x62: {  	_ =	shalt  }
0x63: {  	_ =	shalt  }
0x64: {  	_ =	shalt  }
0x65: {  	_ =	shalt  }
0x66: {  	_ =	shalt  }
0x67: {  	_ =	shalt  }
0x68: {  	_ =	shalt  }
0x69: {  	_ =	shalt  }
0x6a: {  	_ =	shalt  }
0x6b: {  	_ =	shalt  }
0x6c: {  	_ =	shalt  }
0x6d: {  	_ =	shalt  }
0x6e: {  	_ =	shalt  }
0x6f: {  	_ =	shalt  }
0x70: {  	_ =	shalt  }
0x71: {  	_ =	shalt  }
0x72: {  	_ =	shalt  }
0x73: {  	_ =	shalt  }
0x74: {  	_ =	shalt  }
0x75: {  	_ =	shalt  }
0x76: {  	_ =	shalt  }
0x77: {  	_ =	shalt  }
0x78: {  	_ =	shalt  }
0x79: {  	_ =	shalt  }
0x7a: {  	_ =	shalt  }
0x7b: {  	_ =	shalt  }
0x7c: {  	_ =	shalt  }
0x7d: {  	_ =	shalt  }
0x7e: {  	_ =	shalt  }
0x7f: {  	_ =	shalt  }
0x80: {  	_ =	shalt  }
0x81: {  	_ =	shalt  }
0x82: {  	_ =	shalt  }
0x83: {  	_ =	shalt  }
0x84: {  	_ =	shalt  }
0x85: {  	_ =	shalt  }
0x86: {  	_ =	shalt  }
0x87: {  	_ =	shalt  }
.Lfunc_end0:
.L_simem_size_0:
called_computation.1_lowered:
.L_overlay_start_0:
0x88: {  	s2 =	sld [smem:$0x3FD9]  }
0x89: {  	s3 =	sld [smem:$0x3FFE];
	_ =	sdelay $0x1  }
0x8a: {  	s1 =	srdreg.scid  }
0x8b: {  	s0 =	sand.u32 $0x1, s1  }
0x8c: {  	s16 =	sshll.u32 s0, $0xA;
	s2 =	sadd.s32 s3, s2  }
0x8d: {  	s2 =	sadd.s32 s2, s16  }
0x8e: {  	[smem:$0x3FC0] =	sst s2  }
0x8f: {  	_ = 	snop  }
0x90: {  	(tm) =	ssettm $0x1  }
0x91: {  	s17 =	sld [smem:$0x3FFB];
	_ =	sdelay $0x3  }
0x92: {  	_ =	strace s17  }
0x93: {  	s2 =	sld [smem:$0x3FFC];
	_ =	sdelay $0x3  }
0x94: {  	_ =	strace s2  }
0x95: {  	s2 =	sld [smem:$0x3FFD];
	_ =	sdelay $0x3  }
0x96: {  	_ =	strace s2  }
0x97: {  	_ =	strace $0x8FFFFFFF  }
0x98: {  	s18 =	sld [smem:$0x3FDB];
	_ =	sdelay $0x1  }
0x99: {  	s19 =	simm.s32 $_scs_section_size  }
0x9a: {  	s4 =	simm.s32 $_size__tile_overlayer_lowered;
	s5 =	simm.s32 $_tile_overlayer_lowered  }
0x9b: {  	s22 =	simm.s32 $0x1BFF;
	s21 =	sshll.u32 s5, $0x1;
	s2 =	sadd.s32 s19, s18  }
0x9c: {  	s6 =	simm.s32 $0x0;
	s20 =	sshll.u32 s4, $0x1;
	s4 =	sadd.s32 s21, s2  }
0x9d: {  	[timem:s6], [sflag:s22] =	dma.local [hbm:s4], s20  }
0x9e: {  	_ =	swait.ge [sflag:s22], s20  }
0x9f: {  	s3 =	ssub.s32 $0x0, s20;
	[sflag:s22] =	ssyncset.done $0x0  }
0xa0: {  	[sflag:s22] =	ssyncadd.s32 s3;
	_ =	sdelay $0x1  }
0xa1: {  	s23 =	simm.s32 $0x1B8B  }
0xa2: {  	_ =	swait.ge [sflag:s23], $0x1  }
0xa3: {  	[sflag:s23] =	ssyncset.done $0x0  }
0xa4: {  	s25 =	simm.s32 $0x1B8E;
	s24 =	sld [smem:$0x3FFE];
	[sflag:s23] =	ssyncadd.s32 $0xFFFFFFFF  }
0xa5: {  	s26 =	simm.s32 $execute0_lowered;
	[smem:$0x3FD2] =	sst s25  }
0xa6: {  	s4 =	sshll.u32 s26, $0x1;
	_ =	strace $0x80000049;
	[dreg:$0x1] =	wrdreg $0xFFFFFFFF  }
0xa7: {  	s28 =	simm.s32 $_size_execute0_lowered;
	s2 =	sadd.s32 s2, s4;
	[dreg:$0x0] =	wrdreg $0x0  }
0xa8: {  	s4 =	sshll.u32 s28, $0x1;
	[dreg:$0x2] =	wrdreg s2  }
0xa9: {  	[dreg:$0x3] =	wrdreg s4  }
0xaa: {  	[dreg:$0x4] =	wrdreg $0xC0  }
0xab: {  	_ =	task [dreg:s6], $0x5FFFF  }
0xac: {  	[dreg:$0x1] =	wrdreg $0xFFFFFFFF  }
0xad: {  	[dreg:$0x0] =	wrdreg $0x60  }
0xae: {  	[dreg:$0x2] =	wrdreg s24  }
0xaf: {  	[dreg:$0x3] =	wrdreg $0x53800  }
0xb0: {  	[dreg:$0x4] =	wrdreg $0x51000  }
0xb1: {  	[dreg:$0x5] =	wrdreg $0x9  }
0xb2: {  	_ =	task.clear_ibuf [dreg:s6], $0x6FFFF;
	_ =	strace $0x90000049  }
0xb3: {  	s29 =	simm.s32 $0x9;
	_ =	strace $0x8000004B  }
0xb4: {  	_ =	swait.ge [sflag:s29], $0x1  }
0xb5: {  	[sflag:s29] =	ssyncadd.s32 $0xFFFFFFFF  }
0xb6: {  	_ =	strace $0x9000004B  }
0xb7: {  	_ =	sfence  }
0xb8: {  	s30 =	sld [smem:$0x0];
	_ =	sdelay $0x2  }
0xb9: {  	s31 =	sshll.u32 s1, $0xD;
	s1 =	sshrl.u32 s1, $0x2  }
0xba: {  	s3 =	sand.u32 $0x4000, s31;
	s1 =	sadd.s32 s1, s30  }
0xbb: {  	s0 =	sor.u32 s3, s0;
	s1 =	sshll.u32 s1, $0x11  }
0xbc: {  	s0 =	sor.u32 s1, s0  }
0xbd: {  	s0 =	sadd.s32 $0x8F2B, s0  }
0xbe: {  	[sflag:s0] =	ssyncadd.remote.s32 $0x1  }
0xbf: {  	_ =	sfence.sel $0xFFFF  }
0xc0: {  	[dreg:$0x0] =	wrdreg $0xFFFFFFFF;
	(pc) =	sbr.abs _section_cstart, $3  }
0xc1: {  	[dreg:$0x1] =	wrdreg $0xFFFFFFFF  }
0xc2: {  	_ =	task.clear_ibuf [dreg:s6], $0x2FFFF;
	_ =	strace $0x9FFFFFFF  }
0xc3: {  	(tm) =	ssettm $0x7FFFFFFF  }
tec
execute0_lowered:
.L_overlay_start_1:
0x0: {  	(tag) =	ssettag $0x1  }
0x1: {  	s6 =	rddreg [dreg:$0x0]  }
0x2: {  	s2 =	rddreg [dreg:$0x1]  }
0x3: {  	s0 =	srdreg.scid;
	s3 =	rddreg [dreg:$0x2]  }
0x4: {  	s4 =	simm.s32 $0x0;
	s15 =	simm.s32 $0x2800;
	s16 =	simm.s32 $0x80  }
0x5: {  	s17 =	simm.s32 $0x5000;
	s18 =	simm.s32 $0x1;
	s19 =	simm.s32 $0x5080  }
0x6: {  	s20 =	simm.s32 $0x2;
	s21 =	simm.s32 $0x2880;
	s22 =	simm.s32 $0x3  }
0x7: {  	s23 =	simm.s32 $0x100;
	s5 =	sand.u32 $0x1, s0;
	s0 =	stileid.u32  }
0x8: {  	s24 =	simm.s32 $0x4;
	s25 =	simm.s32 $0x0;
	s8 =	smul.u32 $0x280, s0  }
0x9: {  	[smem:$0x7FF] =	sst s4;
	s1 =	sshll.u32 s5, $0x4;
	s9 =	smul.u32 $0x2800, s5  }
0xa: {  	s11 =	ssub.s32 $0x2, s5;
	s5 =	sadd.s32 $0x1F600, s6;
	s1 =	sor.u32 s0, s1  }
0xb: {  	s31 =	sshll.u32 s0, $0x6;
	s30 =	sshrl.u32 s11, $0x1;
	s7 =	smul.u32 $0x500, s1  }
0xc: {  	s1 =	rddreg [dreg:$0x3];
	_ =	strace $0x8000004A;
	s29 =	sshrl.u32 s8, $0x3  }
0xd: {  	s9 =	sadd.s32 s8, s9;
	s11 =	ssub.s32 s11, s30;
	s13 =	sadd.s32 s8, s2  }
.Ltmp0:
0xe: {  	s14 =	sadd.s32 s8, s3;
	s9 =	sshrl.u32 s9, $0x3;
	(pc) =	sbr.rel .LBB2_1-.Ltmp0, $4  }
0xf: {  	s11 =	smax.u32 s11, $0x1;
	s14 =	sshrl.u32 s14, $0x3;
	s10 =	sadd.s32 s7, s6  }
0x10: {  	s7 =	sadd.s32 s29, s6;
	s12 =	sadd.s32 s9, s6;
	s6 =	sor.u32 $0x1C05, s31  }
0x11: {  	s7 =	sadd.s32 $0x15600, s7;
	s8 =	sadd.s32 $0xB600, s10;
	s9 =	sadd.s32 $0x1600, s10  }
0x12: {  	s10 =	sadd.s32 $0x15C00, s12;
	s12 =	sshrl.u32 s13, $0x3;
	s13 =	simm.s32 $0x5  }
.LBB2_4:
0x13: {  	_ =	swait.ge [sflag:s24], $0x80  }
0x14: {  	s25 =	sadd.s32 $0x1, s25;
	[sflag:s24] =	ssyncset.done $0x0  }
0x15: {  	p0 =	sne.s32 s25, s11;
	[sflag:s24] =	ssyncadd.s32 $0xFFFFFF80  }
.Ltmp1:
0x16: {  	[bflag:$0x0] =	sbarrier.arrive $0xFFFF;
	(pc) =	sbr.rel @!p0 .LBB2_5-.Ltmp1, $4  }
0x17: {  	[hbm:s10], [sflag:s6] =	dma.local [spmem:s12], $0x50  }
0x18: {  	_ =	swait.ge [sflag:s13], $0x50  }
0x19: {  	[sflag:s13] =	ssyncset.done $0x0  }
0x1a: {  	[sflag:s13] =	ssyncadd.s32 $0xFFFFFFB0  }
.LBB2_1:
0x1b: {  	[spmem:s12], [sflag:s6] =	dma.local [hbm:s5], $0x50  }
0x1c: {  	_ =	swait.ge [sflag:s13], $0x50  }
0x1d: {  	[sflag:s13] =	ssyncset.done $0x0  }
0x1e: {  	[sflag:s13] =	ssyncadd.s32 $0xFFFFFFB0  }
0x1f: {  	[spmem:s14], [sflag:s6] =	dma.local [hbm:s7], $0x50  }
0x20: {  	_ =	swait.ge [sflag:s13], $0x50  }
0x21: {  	[sflag:s13] =	ssyncset.done $0x0  }
0x22: {  	[sflag:s13] =	ssyncadd.s32 $0xFFFFFFB0  }
0x23: {  	[tilespmem:s4], [sflag:$0x5] =	stream.linear.gather [hbm4b:s8+s4], $0x2800, $0x38;
	[tilespmem:$0x5600] =	vst v63  }
0x24: {  	_ =	swait.ge [sflag:s13], $0x2800  }
0x25: {  	[sflag:s13] =	ssyncset.done $0x0  }
0x26: {  	[sflag:s13] =	ssyncadd.s32 $0xFFFFD800  }
0x27: {  	[tilespmem:s15], [sflag:$0x5] =	stream.linear.gather [hbm4b:s9+s4], $0x2800, $0x38;
	[tilespmem:$0x5600] =	vst v63  }
0x28: {  	_ =	swait.ge [sflag:s13], $0x2800  }
0x29: {  	[sflag:s13] =	ssyncset.done $0x0  }
0x2a: {  	[sflag:s13] =	ssyncadd.s32 $0xFFFFD800  }
0x2b: {  	[bflag:$0x0] =	sbarrier.arrive $0xFFFF  }
0x2c: {  	[tilespmem:s17], [sflag:$0x1] =	stream.indirect.gather [spmem:s3], $0x1, s4, s16, $0xb8;
	[tilespmem:$0x5600] =	vst v63  }
0x2d: {  	_ =	swait.ge [sflag:s18], $0x80  }
0x2e: {  	[sflag:s18] =	ssyncset.done $0x0  }
0x2f: {  	[sflag:s18] =	ssyncadd.s32 $0xFFFFFF80  }
0x30: {  	[spmem:s2] =	stream.indirect.scatter.add.f32 [tilespmem:s17], [sflag:$0x3], $0x1, s15, s16, $0xb8;
	[tilespmem:$0x5600] =	vst v63  }
0x31: {  	_ = 	snop  }
0x32: {  	[tilespmem:s19], [sflag:$0x2] =	stream.indirect.gather [spmem:s3], $0x1, s16, s16, $0xb8;
	[tilespmem:$0x5600] =	vst v63  }
0x33: {  	_ =	swait.ge [sflag:s20], $0x80  }
0x34: {  	[sflag:s20] =	ssyncset.done $0x0  }
0x35: {  	[sflag:s20] =	ssyncadd.s32 $0xFFFFFF80  }
0x36: {  	[spmem:s2] =	stream.indirect.scatter.add.f32 [tilespmem:s19], [sflag:$0x4], $0x1, s21, s16, $0xb8;
	[tilespmem:$0x5600] =	vst v63  }
0x37: {  	_ =	swait.ge [sflag:s22], $0x80  }
0x38: {  	[sflag:s22] =	ssyncset.done $0x0  }
0x39: {  	s26 =	simm.s32 $0xFFFF6800;
	[sflag:s22] =	ssyncadd.s32 $0xFFFFFF80  }
0x3a: {  	[tilespmem:s17], [sflag:$0x1] =	stream.indirect.gather [spmem:s3], $0x1, s23, s16, $0xb8;
	[tilespmem:$0x5600] =	vst v63  }
.LBB2_2:
0x3b: {  	_ =	swait.ge [sflag:s18], $0x80  }
0x3c: {  	s28 =	sshra.s32 s26, $0x2;
	[sflag:s18] =	ssyncset.done $0x0  }
0x3d: {  	s29 =	sadd.s32 $0x4F00, s28;
	[sflag:s18] =	ssyncadd.s32 $0xFFFFFF80  }
0x3e: {  	[spmem:s2] =	stream.indirect.scatter.add.f32 [tilespmem:s17], [sflag:$0x3], $0x1, s29, s16, $0xb8;
	[tilespmem:$0x5600] =	vst v63  }
0x3f: {  	_ =	swait.ge [sflag:s24], $0x80  }
0x40: {  	[sflag:s24] =	ssyncset.done $0x0  }
0x41: {  	s30 =	sadd.s32 $0x2780, s28;
	[sflag:s24] =	ssyncadd.s32 $0xFFFFFF80  }
0x42: {  	[tilespmem:s19], [sflag:$0x2] =	stream.indirect.gather [spmem:s3], $0x1, s30, s16, $0xb8;
	[tilespmem:$0x5600] =	vst v63  }
0x43: {  	_ =	swait.ge [sflag:s20], $0x80  }
0x44: {  	p0 =	seq.s32 s26, $0x0;
	[sflag:s20] =	ssyncset.done $0x0  }
.Ltmp2:
0x45: {  	s31 =	sadd.s32 $0x4F80, s28;
	[sflag:s20] =	ssyncadd.s32 $0xFFFFFF80;
	(pc) =	sbr.rel @p0 .LBB2_4-.Ltmp2, $4  }
0x46: {  	[spmem:s2] =	stream.indirect.scatter.add.f32 [tilespmem:s19], [sflag:$0x4], $0x1, s31, s16, $0xb8;
	[tilespmem:$0x5600] =	vst v63  }
0x47: {  	_ =	swait.ge [sflag:s22], $0x80  }
0x48: {  	[sflag:s22] =	ssyncset.done $0x0  }
0x49: {  	[sflag:s22] =	ssyncadd.s32 $0xFFFFFF80  }
.Ltmp3:
0x4a: {  	(pc) =	sbr.rel .LBB2_2-.Ltmp3, $3  }
0x4b: {  	_ =	sdelay $0x1  }
0x4c: {  	s28 =	sadd.s32 $0x2800, s28;
	s26 =	sadd.s32 $0x400, s26  }
0x4d: {  	[tilespmem:s17], [sflag:$0x1] =	stream.indirect.gather [spmem:s3], $0x1, s28, s16, $0xb8;
	[tilespmem:$0x5600] =	vst v63  }
.LBB2_5:
0x4e: {  	_ =	sfence.sel $0x180000  }
0x4f: {  	[bflag:$0x0] =	sbarrier.arrive $0xFFFF  }
0x50: {  	p0 =	sne.s32 s0, $0x0;
	_ =	strace $0x9000004A  }
0x51: {  	s0 =	sadd.s32 @!p0 $0x100000, s1;
	[bflag:$0x2] =	sbarrier.arrive $0xFFFF  }
0x52: {  	[sflag:s0] =	ssyncadd.tile.s32 @!p0 $0x1;
	_ =	shalt  }
.Lfunc_end2:
_tile_overlayer_lowered:
.L_overlay_start_2:
0x53: {  	(tag) =	ssettag $0x2  }
0x54: {  	s0 =	rddreg [dreg:$0x0];
	s2 =	stileid.u32  }
0x55: {  	s1 =	rddreg [dreg:$0x1];
	p0 =	sne.s32 s2, $0x0  }
0x56: {  	s3 =	rddreg [dreg:$0x2];
	[bflag:$0x3] =	sbarrier.arrive $0xFFFF;
	s2 =	simm.s32 @!p0 $0x1C05  }
0x57: {  	[timem:s3], [sflag:s2] =	dma.local @!p0 [hbm:s0], s1  }
0x58: {  	s0 =	simm.s32 @!p0 $0x5  }
0x59: {  	_ =	swait.ge @!p0 [sflag:s0], s1  }
0x5a: {  	s1 =	ssub.s32 @!p0 $0x0, s1;
	[sflag:s0] =	ssyncset.done @!p0 $0x0  }
0x5b: {  	[sflag:s0] =	ssyncadd.s32 @!p0 s1  }
0x5c: {  	[bflag:$0x3] =	sbarrier.arrive $0xFFFF  }
0x5d: {  	_ =	shalt  }

</sc_bundles>
